<compile_context>
chip_gen: v7x
topology: tpu7x:2x2x1
jax: 0.10.2.dev20260603
libtpu: 0.0.44.dev20260713+nightly
codegen_flags: <defaults>
</compile_context>

<pallas_src>
import functools

import jax
import jax.numpy as jnp
from jax import lax
from jax.experimental import pallas as pl
from jax.experimental.pallas import tpu as pltpu
from jax.experimental.pallas import tpu_sc as plsc

N = 10000
E = 160000
D = 256
H = 128
NC = 2
NT = 16
CH = 128
NCHK = 79
E_PAD = NT * NCHK * CH
RPT = 632
NPAD = NT * RPT


def _make_sc_aggregate():
    mesh = plsc.VectorSubcoreMesh(core_axis_name="c", subcore_axis_name="s",
                                  num_cores=NC, num_subcores=NT)

    @functools.partial(
        pl.kernel,
        out_type=jax.ShapeDtypeStruct((NC, NPAD, H), jnp.float32),
        mesh=mesh,
        scratch_types=[
            pltpu.VMEM((NCHK, CH), jnp.int32),
            pltpu.VMEM((NCHK, CH), jnp.int32),
            pltpu.VMEM((CH, H), jnp.float32),
            pltpu.VMEM_SHARED((NPAD, H), jnp.float32),
            pltpu.SemaphoreType.DMA,
        ],
    )
    def agg_kernel(xflat, srcp, dstp, zrows, out, idx_v, dst_v, rows_v, accum, sem):
        c = lax.axis_index("c")
        s = lax.axis_index("s")
        pltpu.sync_copy(srcp.at[c, s], idx_v)
        pltpu.sync_copy(dstp.at[s], dst_v)
        pltpu.sync_copy(zrows, accum.at[pl.ds(s * RPT, RPT)])
        plsc.subcore_barrier()

        def body(j, carry):
            pltpu.async_copy(xflat.at[idx_v.at[j]], rows_v, sem).wait()
            pltpu.sync_copy(rows_v, accum.at[dst_v.at[j]], add=True)
            return carry

        lax.fori_loop(0, NCHK, body, 0)
        plsc.subcore_barrier()
        pltpu.sync_copy(accum.at[pl.ds(s * RPT, RPT)],
                        out.at[c, pl.ds(s * RPT, RPT)])

    return agg_kernel


_SC_AGG_CACHE = []


def _sc_aggregate(xflat, srcp, dstp, zrows):
    if not _SC_AGG_CACHE:
        _SC_AGG_CACHE.append(_make_sc_aggregate())
    return _SC_AGG_CACHE[0](xflat, srcp, dstp, zrows)


BN = 2000
NB = N // BN


def _mlp_body(x_ref, a_ref, w1_ref, b1_ref, w2_ref, b2_ref, o_ref):
    h = jnp.concatenate([x_ref[0] + a_ref[0], x_ref[1] + a_ref[1]], axis=1)
    h1 = jnp.dot(h, w1_ref[...], preferred_element_type=jnp.float32) + b1_ref[...]
    h1 = jnp.maximum(h1, 0.0)
    h2 = jnp.dot(h1, w2_ref[...], preferred_element_type=jnp.float32) + b2_ref[...]
    h2 = jnp.maximum(h2, 0.0)
    o_ref[0] = h2[:, :H]
    o_ref[1] = h2[:, H:]


def _tc_mlp(x2, agg2, w1, b1, w2, b2):
    return pl.pallas_call(
        _mlp_body,
        grid=(NB,),
        in_specs=[
            pl.BlockSpec((NC, BN, H), lambda i: (0, i, 0)),
            pl.BlockSpec((NC, BN, H), lambda i: (0, i, 0)),
            pl.BlockSpec((D, D), lambda i: (0, 0)),
            pl.BlockSpec((1, D), lambda i: (0, 0)),
            pl.BlockSpec((D, D), lambda i: (0, 0)),
            pl.BlockSpec((1, D), lambda i: (0, 0)),
        ],
        out_specs=pl.BlockSpec((NC, BN, H), lambda i: (0, i, 0)),
        out_shape=jax.ShapeDtypeStruct((NC, NPAD, H), jnp.float32),
    )(x2, agg2, w1, b1, w2, b2)


def _head_body(x_ref, wa_ref, ba_ref, wb_ref, bb_ref, wc_ref, bc_ref,
               wr_ref, br_ref, wk_ref, bk_ref,
               lo_ref, pr_ref, yh_ref, m_ref, z_ref, acc_ref):
    i = pl.program_id(0)

    @pl.when(i == 0)
    def _():
        m_ref[0] = -jnp.inf
        z_ref[0] = 0.0
        acc_ref[...] = jnp.zeros_like(acc_ref)

    h = jnp.concatenate([x_ref[0], x_ref[1]], axis=1)
    a = jnp.tanh(jnp.dot(h, wa_ref[...], preferred_element_type=jnp.float32) + ba_ref[...])
    b = jax.nn.sigmoid(jnp.dot(h, wb_ref[...], preferred_element_type=jnp.float32) + bb_ref[...])
    att = jnp.dot(a * b, wc_ref[...], preferred_element_type=jnp.float32) + bc_ref[...]
    m_old = m_ref[0]
    m_new = jnp.maximum(m_old, jnp.max(att))
    p = jnp.exp(att - m_new)
    scale = jnp.exp(m_old - m_new)
    m_ref[0] = m_new
    z_ref[0] = z_ref[0] * scale + jnp.sum(p)
    pacc = lax.dot_general(p, h, (((0,), (0,)), ((), ())),
                           preferred_element_type=jnp.float32)
    acc_ref[...] = acc_ref[...] * scale + pacc

    @pl.when(i == NB - 1)
    def _():
        hp = acc_ref[...] / z_ref[0]
        r = jnp.maximum(jnp.dot(hp, wr_ref[...], preferred_element_type=jnp.float32) + br_ref[...], 0.0)
        logits = jnp.dot(r, wk_ref[...], preferred_element_type=jnp.float32) + bk_ref[...]
        lo_ref[...] = logits
        pr_ref[...] = jax.nn.sigmoid(logits)
        mx = jnp.max(logits, axis=1, keepdims=True)
        iot = lax.broadcasted_iota(jnp.int32, (1, 4), 1)
        yh_ref[...] = jnp.min(jnp.where(logits >= mx, iot, 4), axis=1,
                              keepdims=True)


def _tc_head(x2, wa, ba, wb, bb, wc, bc, wr, br, wk, bk):
    return pl.pallas_call(
        _head_body,
        grid=(NB,),
        in_specs=[
            pl.BlockSpec((NC, BN, H), lambda i: (0, i, 0)),
            pl.BlockSpec((D, D), lambda i: (0, 0)),
            pl.BlockSpec((1, D), lambda i: (0, 0)),
            pl.BlockSpec((D, D), lambda i: (0, 0)),
            pl.BlockSpec((1, D), lambda i: (0, 0)),
            pl.BlockSpec((D, 1), lambda i: (0, 0)),
            pl.BlockSpec((1, 1), lambda i: (0, 0)),
            pl.BlockSpec((D, D), lambda i: (0, 0)),
            pl.BlockSpec((1, D), lambda i: (0, 0)),
            pl.BlockSpec((D, 4), lambda i: (0, 0)),
            pl.BlockSpec((1, 4), lambda i: (0, 0)),
        ],
        out_specs=[
            pl.BlockSpec((1, 4), lambda i: (0, 0)),
            pl.BlockSpec((1, 4), lambda i: (0, 0)),
            pl.BlockSpec((1, 1), lambda i: (0, 0)),
        ],
        out_shape=[
            jax.ShapeDtypeStruct((1, 4), jnp.float32),
            jax.ShapeDtypeStruct((1, 4), jnp.float32),
            jax.ShapeDtypeStruct((1, 1), jnp.int32),
        ],
        scratch_shapes=[
            pltpu.SMEM((1,), jnp.float32),
            pltpu.SMEM((1,), jnp.float32),
            pltpu.VMEM((1, D), jnp.float32),
        ],
    )(x2, wa, ba, wb, bb, wc, bc, wr, br, wk, bk)


def kernel(feat, edge_latent, params):
    src = edge_latent[0].astype(jnp.int32)
    dst = edge_latent[1].astype(jnp.int32)
    pad_e = E_PAD - E
    src_p = jnp.concatenate([src, jnp.zeros((pad_e,), jnp.int32)])
    dst_p = jnp.concatenate([dst, jnp.full((pad_e,), N, jnp.int32)])
    srcp = jnp.stack([src_p, src_p + NPAD]).reshape(NC, NT, NCHK, CH)
    dstp = dst_p.reshape(NT, NCHK, CH)
    zrows = jnp.zeros((RPT, H), jnp.float32)

    x2 = jnp.stack([feat[:, :H], feat[:, H:]])
    x2 = jnp.pad(x2, ((0, 0), (0, NPAD - N), (0, 0)))

    p = params
    layers = [
        (p['c1_W1'], p['c1_b1'], p['c1_W2'], p['c1_b2']),
        (p['c2_W1'], p['c2_b1'], p['c2_W2'], p['c2_b2']),
        (p['c3_W1'], p['c3_b1'], p['c3_W2'], p['c3_b2']),
    ]
    for w1, b1, w2, b2 in layers:
        agg2 = _sc_aggregate(x2.reshape(NC * NPAD, H), srcp, dstp, zrows)
        x2 = _tc_mlp(x2, agg2, w1, b1.reshape(1, D), w2, b2.reshape(1, D))

    logits, y_prob, y_hat = _tc_head(
        x2,
        p['att_Wa'], p['att_ba'].reshape(1, D),
        p['att_Wb'], p['att_bb'].reshape(1, D),
        p['att_Wc'], p['att_bc'].reshape(1, 1),
        p['rho_W'], p['rho_b'].reshape(1, D),
        p['cls_W'], p['cls_b'].reshape(1, 4),
    )
    return (logits, y_prob, y_hat)

# --- scband reference (transcript-rebuilt; emitter-appended) ---
"""Pipeline reference for scband-deep-graph-conv-surv-49091476193969 (READ-ONLY COPY).

The authoritative reference and input builder live on the scoring server;
editing this copy changes nothing except your own understanding.
"""

import jax, jax.numpy as jnp
import numpy as np

N_NODES = 10000
N_EDGES = 160000
NDIM = 256
HID = 256
N_CLASSES = 4


def _init_linear(key, fan_in, fan_out):
    k1, k2 = jax.random.split(key)
    bound = 1.0 / np.sqrt(fan_in)
    W = jax.random.uniform(k1, (fan_in, fan_out), minval=-bound, maxval=bound, dtype=jnp.float32)
    b = jax.random.uniform(k2, (fan_out,), minval=-bound, maxval=bound, dtype=jnp.float32)
    return W, b


def setup_inputs(seed: int = 0) -> dict:
    key = jax.random.key(seed)
    ks = jax.random.split(key, 16)
    feat = jax.random.normal(ks[0], (N_NODES, NDIM), dtype=jnp.float32)
    edge_latent = jax.random.randint(ks[1], (2, N_EDGES), 0, N_NODES, dtype=jnp.int64 if jax.config.read('jax_enable_x64') else jnp.int32)
    params = {}
    # GINConv 1..3 MLPs: Linear(in,HID) -> ReLU -> Linear(HID,HID)
    params['c1_W1'], params['c1_b1'] = _init_linear(ks[2], NDIM, HID)
    params['c1_W2'], params['c1_b2'] = _init_linear(ks[3], HID, HID)
    params['c2_W1'], params['c2_b1'] = _init_linear(ks[4], HID, HID)
    params['c2_W2'], params['c2_b2'] = _init_linear(ks[5], HID, HID)
    params['c3_W1'], params['c3_b1'] = _init_linear(ks[6], HID, HID)
    params['c3_W2'], params['c3_b2'] = _init_linear(ks[7], HID, HID)
    # Gated attention head: a = tanh(W_a h), b = sigmoid(W_b h), A = W_c (a*b)
    params['att_Wa'], params['att_ba'] = _init_linear(ks[8], HID, HID)
    params['att_Wb'], params['att_bb'] = _init_linear(ks[9], HID, HID)
    params['att_Wc'], params['att_bc'] = _init_linear(ks[10], HID, 1)
    # path_rho: Linear(HID, HID) -> ReLU -> Dropout(identity in eval)
    params['rho_W'], params['rho_b'] = _init_linear(ks[11], HID, HID)
    # classifier
    params['cls_W'], params['cls_b'] = _init_linear(ks[12], HID, N_CLASSES)
    return {'feat': feat, 'edge_latent': edge_latent, 'params': params}


def _gin_layer(x, src, dst, W1, b1, W2, b2):
    # GINConv with eps=0: nn(x + sum_{j in N(i)} x_j); messages flow src -> dst
    msg = jnp.take(x, src, axis=0)
    agg = jax.ops.segment_sum(msg, dst, num_segments=x.shape[0])
    h = x + agg
    h = jnp.maximum(h @ W1 + b1, 0.0)
    return h @ W2 + b2


def _forward_logits(feat, params, edge_latent):
    x = feat  # squeeze(0) is a no-op for [N, d]
    src = edge_latent[0]
    dst = edge_latent[1]
    x1 = jnp.maximum(_gin_layer(x, src, dst, params['c1_W1'], params['c1_b1'], params['c1_W2'], params['c1_b2']), 0.0)
    x2 = jnp.maximum(_gin_layer(x1, src, dst, params['c2_W1'], params['c2_b1'], params['c2_W2'], params['c2_b2']), 0.0)
    x3 = jnp.maximum(_gin_layer(x2, src, dst, params['c3_W1'], params['c3_b1'], params['c3_W2'], params['c3_b2']), 0.0)
    h_path = x3
    a = jnp.tanh(h_path @ params['att_Wa'] + params['att_ba'])
    b = jax.nn.sigmoid(h_path @ params['att_Wb'] + params['att_bb'])
    A = (a * b) @ params['att_Wc'] + params['att_bc']  # [N, 1]
    A = A.T  # [1, N]
    h = jax.nn.softmax(A, axis=1) @ h_path  # [1, HID]
    h = jnp.maximum(h @ params['rho_W'] + params['rho_b'], 0.0)  # dropout = identity (eval)
    h = h.squeeze()  # [HID]
    logits = (h @ params['cls_W'] + params['cls_b'])[None, :]  # [1, n_classes]
    return logits


def reference(feat, edge_latent, params):
    logits = _forward_logits(feat, params, edge_latent)
    _, Y_hat = jax.lax.top_k(logits, 1)
    Y_prob = jax.nn.sigmoid(logits)
    return (logits, Y_prob, Y_hat)

if __name__ == "__main__":
    import jax
    _d = setup_inputs()
    print(jax.jit(kernel)(*tuple(_d.values())))

</pallas_src>

<mosaic_0001>
#map = affine_map<(d0, d1) -> (0, 0)>
#map1 = affine_map<(d0, d1) -> (0, 0, 0, 0)>
#map2 = affine_map<(d0, d1) -> (0, 0, 0)>
module attributes {stable_mosaic.version = 14 : i64} {
  func.func @agg_kernel(%arg0: i32, %arg1: i32, %arg2: memref<20224x128xf32, #tpu.memory_space<hbm>>, %arg3: memref<2x16x79x128xi32, #tpu.memory_space<hbm>>, %arg4: memref<16x79x128xi32, #tpu.memory_space<hbm>>, %arg5: memref<632x128xf32, #tpu.memory_space<hbm>>, %arg6: memref<2x10112x128xf32, #tpu.memory_space<hbm>>, %arg7: memref<79x128xi32, #tpu.memory_space<vmem>>, %arg8: memref<79x128xi32, #tpu.memory_space<vmem>>, %arg9: memref<128x128xf32, #tpu.memory_space<vmem>>, %arg10: memref<10112x128xf32, #tpu.memory_space<vmem_shared>>, %arg11: memref<!tpu.dma_semaphore, #tpu.memory_space<semaphore_mem>>) attributes {dimension_semantics = [#tpu.dimension_semantics<core_parallel>, #tpu.dimension_semantics<subcore_parallel>], iteration_bounds = array<i64: 2, 16>, scalar_prefetch = 0 : i64, scratch_operands = 5 : i64, tpu.core_type = #tpu.core_type<sc_vector_subcore>, window_params = [{transform_indices = #map}, {transform_indices = #map1}, {transform_indices = #map2}, {transform_indices = #map}, {transform_indices = #map2}]} {
    "tpu.region"() ({
      %run_scoped3A = tpu.sem_alloc : memref<!tpu.dma_semaphore, #tpu.memory_space<semaphore_mem>>
      %dma_start3A = arith.constant 0 : i32
      %dma_start3A_11 = arith.constant 0 : i32
      %dma_start3A_12 = tpu.memref_slice %arg3[%arg0, %arg1, %dma_start3A, %dma_start3A_11] : memref<2x16x79x128xi32, #tpu.memory_space<hbm>> -> memref<1x1x79x128xi32, #tpu.memory_space<hbm>>
      %dma_start3A_13 = tpu.memref_squeeze %dma_start3A_12 : memref<1x1x79x128xi32, #tpu.memory_space<hbm>> -> memref<79x128xi32, #tpu.memory_space<hbm>>
      %dma_start3A_14 = arith.constant 0 : i32
      %dma_start3A_15 = arith.constant 0 : i32
      %dma_start3A_16 = tpu.memref_slice %arg3[%arg0, %arg1, %dma_start3A_14, %dma_start3A_15] : memref<2x16x79x128xi32, #tpu.memory_space<hbm>> -> memref<1x1x79x128xi32, #tpu.memory_space<hbm>>
      %dma_start3A_17 = tpu.memref_squeeze %dma_start3A_16 : memref<1x1x79x128xi32, #tpu.memory_space<hbm>> -> memref<79x128xi32, #tpu.memory_space<hbm>>
      tpu.enqueue_dma source(%dma_start3A_17 : memref<79x128xi32, #tpu.memory_space<hbm>>) target(%arg7 : memref<79x128xi32, #tpu.memory_space<vmem>>) target_semaphore(%run_scoped3A : memref<!tpu.dma_semaphore, #tpu.memory_space<semaphore_mem>>)
      %dma_wait3A = arith.constant 0 : i32
      %dma_wait3A_18 = arith.constant 0 : i32
      %dma_wait3A_19 = tpu.memref_slice %arg3[%arg0, %arg1, %dma_wait3A, %dma_wait3A_18] : memref<2x16x79x128xi32, #tpu.memory_space<hbm>> -> memref<1x1x79x128xi32, #tpu.memory_space<hbm>>
      %dma_wait3A_20 = tpu.memref_squeeze %dma_wait3A_19 : memref<1x1x79x128xi32, #tpu.memory_space<hbm>> -> memref<79x128xi32, #tpu.memory_space<hbm>>
      %dma_wait3A_21 = arith.constant 0 : i32
      %dma_wait3A_22 = arith.constant 0 : i32
      %dma_wait3A_23 = tpu.memref_slice %arg3[%arg0, %arg1, %dma_wait3A_21, %dma_wait3A_22] : memref<2x16x79x128xi32, #tpu.memory_space<hbm>> -> memref<1x1x79x128xi32, #tpu.memory_space<hbm>>
      %dma_wait3A_24 = tpu.memref_squeeze %dma_wait3A_23 : memref<1x1x79x128xi32, #tpu.memory_space<hbm>> -> memref<79x128xi32, #tpu.memory_space<hbm>>
      tpu.wait_dma2 semaphore(%run_scoped3A : memref<!tpu.dma_semaphore, #tpu.memory_space<semaphore_mem>>) src(%dma_wait3A_24 : memref<79x128xi32, #tpu.memory_space<hbm>>) dst(%arg7 : memref<79x128xi32, #tpu.memory_space<vmem>>)
      tpu.yield
    }) : () -> ()
    "tpu.region"() ({
      %run_scoped3A = tpu.sem_alloc : memref<!tpu.dma_semaphore, #tpu.memory_space<semaphore_mem>>
      %dma_start3A = arith.constant 0 : i32
      %dma_start3A_11 = arith.constant 0 : i32
      %dma_start3A_12 = tpu.memref_slice %arg4[%arg1, %dma_start3A, %dma_start3A_11] : memref<16x79x128xi32, #tpu.memory_space<hbm>> -> memref<1x79x128xi32, #tpu.memory_space<hbm>>
      %dma_start3A_13 = tpu.memref_squeeze %dma_start3A_12 : memref<1x79x128xi32, #tpu.memory_space<hbm>> -> memref<79x128xi32, #tpu.memory_space<hbm>>
      %dma_start3A_14 = arith.constant 0 : i32
      %dma_start3A_15 = arith.constant 0 : i32
      %dma_start3A_16 = tpu.memref_slice %arg4[%arg1, %dma_start3A_14, %dma_start3A_15] : memref<16x79x128xi32, #tpu.memory_space<hbm>> -> memref<1x79x128xi32, #tpu.memory_space<hbm>>
      %dma_start3A_17 = tpu.memref_squeeze %dma_start3A_16 : memref<1x79x128xi32, #tpu.memory_space<hbm>> -> memref<79x128xi32, #tpu.memory_space<hbm>>
      tpu.enqueue_dma source(%dma_start3A_17 : memref<79x128xi32, #tpu.memory_space<hbm>>) target(%arg8 : memref<79x128xi32, #tpu.memory_space<vmem>>) target_semaphore(%run_scoped3A : memref<!tpu.dma_semaphore, #tpu.memory_space<semaphore_mem>>)
      %dma_wait3A = arith.constant 0 : i32
      %dma_wait3A_18 = arith.constant 0 : i32
      %dma_wait3A_19 = tpu.memref_slice %arg4[%arg1, %dma_wait3A, %dma_wait3A_18] : memref<16x79x128xi32, #tpu.memory_space<hbm>> -> memref<1x79x128xi32, #tpu.memory_space<hbm>>
      %dma_wait3A_20 = tpu.memref_squeeze %dma_wait3A_19 : memref<1x79x128xi32, #tpu.memory_space<hbm>> -> memref<79x128xi32, #tpu.memory_space<hbm>>
      %dma_wait3A_21 = arith.constant 0 : i32
      %dma_wait3A_22 = arith.constant 0 : i32
      %dma_wait3A_23 = tpu.memref_slice %arg4[%arg1, %dma_wait3A_21, %dma_wait3A_22] : memref<16x79x128xi32, #tpu.memory_space<hbm>> -> memref<1x79x128xi32, #tpu.memory_space<hbm>>
      %dma_wait3A_24 = tpu.memref_squeeze %dma_wait3A_23 : memref<1x79x128xi32, #tpu.memory_space<hbm>> -> memref<79x128xi32, #tpu.memory_space<hbm>>
      tpu.wait_dma2 semaphore(%run_scoped3A : memref<!tpu.dma_semaphore, #tpu.memory_space<semaphore_mem>>) src(%dma_wait3A_24 : memref<79x128xi32, #tpu.memory_space<hbm>>) dst(%arg8 : memref<79x128xi32, #tpu.memory_space<vmem>>)
      tpu.yield
    }) : () -> ()
    %mul3A = arith.constant 632 : i32
    %mul3A_0 = arith.muli %arg1, %mul3A : i32
    "tpu.region"() ({
      %run_scoped3A = tpu.sem_alloc : memref<!tpu.dma_semaphore, #tpu.memory_space<semaphore_mem>>
      %dma_start3A = arith.constant 0 : i32
      %dma_start3A_11 = tpu.memref_slice %arg10[%mul3A_0, %dma_start3A] : memref<10112x128xf32, #tpu.memory_space<vmem_shared>> -> memref<632x128xf32, #tpu.memory_space<vmem_shared>>
      tpu.enqueue_dma source(%arg5 : memref<632x128xf32, #tpu.memory_space<hbm>>) target(%dma_start3A_11 : memref<632x128xf32, #tpu.memory_space<vmem_shared>>) target_semaphore(%run_scoped3A : memref<!tpu.dma_semaphore, #tpu.memory_space<semaphore_mem>>)
      %dma_wait3A = arith.constant 0 : i32
      %dma_wait3A_12 = tpu.memref_slice %arg10[%mul3A_0, %dma_wait3A] : memref<10112x128xf32, #tpu.memory_space<vmem_shared>> -> memref<632x128xf32, #tpu.memory_space<vmem_shared>>
      tpu.wait_dma2 semaphore(%run_scoped3A : memref<!tpu.dma_semaphore, #tpu.memory_space<semaphore_mem>>) src(%arg5 : memref<632x128xf32, #tpu.memory_space<hbm>>) dst(%dma_wait3A_12 : memref<632x128xf32, #tpu.memory_space<vmem_shared>>)
      tpu.yield
    }) : () -> ()
    %barrier3A = arith.constant 0 : index
    tpu.barrier barrier_id(%barrier3A)
    %scan3A = arith.constant 0 : i32
    %scan3A_1 = arith.constant 0 : i32
    %scan3A_2 = arith.constant 79 : i32
    %scan3A_3 = arith.addi %scan3A_1, %scan3A_2 : i32
    %scan3A_4 = arith.constant 1 : i32
    scf.for %scan3A_11 = %scan3A_1 to %scan3A_3 step %scan3A_4  : i32 {
      %dma_start3A = arith.constant 0 : i32
      %dma_start3A_12 = tpu.memref_slice %arg7[%scan3A_11, %dma_start3A] : memref<79x128xi32, #tpu.memory_space<vmem>> -> memref<1x128xi32, #tpu.memory_space<vmem>>
      %dma_start3A_13 = tpu.memref_squeeze %dma_start3A_12 : memref<1x128xi32, #tpu.memory_space<vmem>> -> memref<128xi32, #tpu.memory_space<vmem>>
      %dma_start3A_14 = arith.constant 0 : i32
      %dma_start3A_15 = arith.constant 0 : i32
      %dma_start3A_16 = tpu.memref_slice %arg2[%dma_start3A_14, %dma_start3A_15] : memref<20224x128xf32, #tpu.memory_space<hbm>> -> memref<20224x128xf32, #tpu.memory_space<hbm>>
      tpu.enqueue_indirect_dma source(%dma_start3A_16 : memref<20224x128xf32, #tpu.memory_space<hbm>>) target(%arg9 : memref<128x128xf32, #tpu.memory_space<vmem>>) offsets(%dma_start3A_13 : memref<128xi32, #tpu.memory_space<vmem>>) semaphore(%arg11 : memref<!tpu.dma_semaphore, #tpu.memory_space<semaphore_mem>>)
      %dma_wait3A = arith.constant 0 : i32
      %dma_wait3A_17 = tpu.memref_slice %arg7[%scan3A_11, %dma_wait3A] : memref<79x128xi32, #tpu.memory_space<vmem>> -> memref<1x128xi32, #tpu.memory_space<vmem>>
      %dma_wait3A_18 = tpu.memref_squeeze %dma_wait3A_17 : memref<1x128xi32, #tpu.memory_space<vmem>> -> memref<128xi32, #tpu.memory_space<vmem>>
      %dma_wait3A_19 = arith.constant 0 : i32
      %dma_wait3A_20 = arith.constant 0 : i32
      %dma_wait3A_21 = tpu.memref_slice %arg2[%dma_wait3A_19, %dma_wait3A_20] : memref<20224x128xf32, #tpu.memory_space<hbm>> -> memref<20224x128xf32, #tpu.memory_space<hbm>>
      tpu.wait_indirect_dma semaphore(%arg11 : memref<!tpu.dma_semaphore, #tpu.memory_space<semaphore_mem>>) src(%dma_wait3A_21 : memref<20224x128xf32, #tpu.memory_space<hbm>>) dst(%arg9 : memref<128x128xf32, #tpu.memory_space<vmem>>)
      "tpu.region"() ({
        %run_scoped3A = tpu.sem_alloc : memref<!tpu.dma_semaphore, #tpu.memory_space<semaphore_mem>>
        %dma_start3A_22 = arith.constant 0 : i32
        %dma_start3A_23 = tpu.memref_slice %arg8[%scan3A_11, %dma_start3A_22] : memref<79x128xi32, #tpu.memory_space<vmem>> -> memref<1x128xi32, #tpu.memory_space<vmem>>
        %dma_start3A_24 = tpu.memref_squeeze %dma_start3A_23 : memref<1x128xi32, #tpu.memory_space<vmem>> -> memref<128xi32, #tpu.memory_space<vmem>>
        %dma_start3A_25 = arith.constant 0 : i32
        %dma_start3A_26 = arith.constant 0 : i32
        %dma_start3A_27 = tpu.memref_slice %arg10[%dma_start3A_25, %dma_start3A_26] : memref<10112x128xf32, #tpu.memory_space<vmem_shared>> -> memref<10112x128xf32, #tpu.memory_space<vmem_shared>>
        tpu.enqueue_indirect_dma source(%arg9 : memref<128x128xf32, #tpu.memory_space<vmem>>) target(%dma_start3A_27 : memref<10112x128xf32, #tpu.memory_space<vmem_shared>>) offsets(%dma_start3A_24 : memref<128xi32, #tpu.memory_space<vmem>>) semaphore(%run_scoped3A : memref<!tpu.dma_semaphore, #tpu.memory_space<semaphore_mem>>) {add = true}
        %dma_wait3A_28 = arith.constant 0 : i32
        %dma_wait3A_29 = tpu.memref_slice %arg8[%scan3A_11, %dma_wait3A_28] : memref<79x128xi32, #tpu.memory_space<vmem>> -> memref<1x128xi32, #tpu.memory_space<vmem>>
        %dma_wait3A_30 = tpu.memref_squeeze %dma_wait3A_29 : memref<1x128xi32, #tpu.memory_space<vmem>> -> memref<128xi32, #tpu.memory_space<vmem>>
        %dma_wait3A_31 = arith.constant 0 : i32
        %dma_wait3A_32 = arith.constant 0 : i32
        %dma_wait3A_33 = tpu.memref_slice %arg10[%dma_wait3A_31, %dma_wait3A_32] : memref<10112x128xf32, #tpu.memory_space<vmem_shared>> -> memref<10112x128xf32, #tpu.memory_space<vmem_shared>>
        tpu.wait_indirect_dma semaphore(%run_scoped3A : memref<!tpu.dma_semaphore, #tpu.memory_space<semaphore_mem>>) src(%arg9 : memref<128x128xf32, #tpu.memory_space<vmem>>) dst(%dma_wait3A_33 : memref<10112x128xf32, #tpu.memory_space<vmem_shared>>)
        tpu.yield
      }) : () -> ()
    }
    %scan3A_5 = arith.constant 79 : i32
    %barrier3A_6 = arith.constant 0 : index
    tpu.barrier barrier_id(%barrier3A_6)
    %mul3A_7 = arith.constant 632 : i32
    %mul3A_8 = arith.muli %arg1, %mul3A_7 : i32
    %mul3A_9 = arith.constant 632 : i32
    %mul3A_10 = arith.muli %arg1, %mul3A_9 : i32
    "tpu.region"() ({
      %run_scoped3A = tpu.sem_alloc : memref<!tpu.dma_semaphore, #tpu.memory_space<semaphore_mem>>
      %dma_start3A = arith.constant 0 : i32
      %dma_start3A_11 = tpu.memref_slice %arg6[%arg0, %mul3A_10, %dma_start3A] : memref<2x10112x128xf32, #tpu.memory_space<hbm>> -> memref<1x632x128xf32, #tpu.memory_space<hbm>>
      %dma_start3A_12 = tpu.memref_squeeze %dma_start3A_11 : memref<1x632x128xf32, #tpu.memory_space<hbm>> -> memref<632x128xf32, #tpu.memory_space<hbm>>
      %dma_start3A_13 = arith.constant 0 : i32
      %dma_start3A_14 = tpu.memref_slice %arg10[%mul3A_8, %dma_start3A_13] : memref<10112x128xf32, #tpu.memory_space<vmem_shared>> -> memref<632x128xf32, #tpu.memory_space<vmem_shared>>
      tpu.enqueue_dma source(%dma_start3A_14 : memref<632x128xf32, #tpu.memory_space<vmem_shared>>) target(%dma_start3A_12 : memref<632x128xf32, #tpu.memory_space<hbm>>) target_semaphore(%run_scoped3A : memref<!tpu.dma_semaphore, #tpu.memory_space<semaphore_mem>>)
      %dma_wait3A = arith.constant 0 : i32
      %dma_wait3A_15 = tpu.memref_slice %arg6[%arg0, %mul3A_10, %dma_wait3A] : memref<2x10112x128xf32, #tpu.memory_space<hbm>> -> memref<1x632x128xf32, #tpu.memory_space<hbm>>
      %dma_wait3A_16 = tpu.memref_squeeze %dma_wait3A_15 : memref<1x632x128xf32, #tpu.memory_space<hbm>> -> memref<632x128xf32, #tpu.memory_space<hbm>>
      %dma_wait3A_17 = arith.constant 0 : i32
      %dma_wait3A_18 = tpu.memref_slice %arg10[%mul3A_8, %dma_wait3A_17] : memref<10112x128xf32, #tpu.memory_space<vmem_shared>> -> memref<632x128xf32, #tpu.memory_space<vmem_shared>>
      tpu.wait_dma2 semaphore(%run_scoped3A : memref<!tpu.dma_semaphore, #tpu.memory_space<semaphore_mem>>) src(%dma_wait3A_18 : memref<632x128xf32, #tpu.memory_space<vmem_shared>>) dst(%dma_wait3A_16 : memref<632x128xf32, #tpu.memory_space<hbm>>)
      tpu.yield
    }) : () -> ()
    return
  }
}

#map = affine_map<(d0, d1) -> (0, 0)>
#map1 = affine_map<(d0, d1) -> (0, 0, 0, 0)>
#map2 = affine_map<(d0, d1) -> (0, 0, 0)>
module attributes {stable_mosaic.version = 14 : i64} {
  func.func @agg_kernel(%arg0: i32, %arg1: i32, %arg2: memref<20224x128xf32, #tpu.memory_space<hbm>>, %arg3: memref<2x16x79x128xi32, #tpu.memory_space<hbm>>, %arg4: memref<16x79x128xi32, #tpu.memory_space<hbm>>, %arg5: memref<632x128xf32, #tpu.memory_space<hbm>>, %arg6: memref<2x10112x128xf32, #tpu.memory_space<hbm>>, %arg7: memref<79x128xi32, #tpu.memory_space<vmem>>, %arg8: memref<79x128xi32, #tpu.memory_space<vmem>>, %arg9: memref<128x128xf32, #tpu.memory_space<vmem>>, %arg10: memref<10112x128xf32, #tpu.memory_space<vmem_shared>>, %arg11: memref<!tpu.dma_semaphore, #tpu.memory_space<semaphore_mem>>) attributes {dimension_semantics = [#tpu.dimension_semantics<core_parallel>, #tpu.dimension_semantics<subcore_parallel>], iteration_bounds = array<i64: 2, 16>, scalar_prefetch = 0 : i64, scratch_operands = 5 : i64, tpu.core_type = #tpu.core_type<sc_vector_subcore>, window_params = [{transform_indices = #map}, {transform_indices = #map1}, {transform_indices = #map2}, {transform_indices = #map}, {transform_indices = #map2}]} {
    "tpu.region"() ({
      %run_scoped3A = tpu.sem_alloc : memref<!tpu.dma_semaphore, #tpu.memory_space<semaphore_mem>>
      %dma_start3A = arith.constant 0 : i32
      %dma_start3A_11 = arith.constant 0 : i32
      %dma_start3A_12 = tpu.memref_slice %arg3[%arg0, %arg1, %dma_start3A, %dma_start3A_11] : memref<2x16x79x128xi32, #tpu.memory_space<hbm>> -> memref<1x1x79x128xi32, #tpu.memory_space<hbm>>
      %dma_start3A_13 = tpu.memref_squeeze %dma_start3A_12 : memref<1x1x79x128xi32, #tpu.memory_space<hbm>> -> memref<79x128xi32, #tpu.memory_space<hbm>>
      %dma_start3A_14 = arith.constant 0 : i32
      %dma_start3A_15 = arith.constant 0 : i32
      %dma_start3A_16 = tpu.memref_slice %arg3[%arg0, %arg1, %dma_start3A_14, %dma_start3A_15] : memref<2x16x79x128xi32, #tpu.memory_space<hbm>> -> memref<1x1x79x128xi32, #tpu.memory_space<hbm>>
      %dma_start3A_17 = tpu.memref_squeeze %dma_start3A_16 : memref<1x1x79x128xi32, #tpu.memory_space<hbm>> -> memref<79x128xi32, #tpu.memory_space<hbm>>
      tpu.enqueue_dma source(%dma_start3A_17 : memref<79x128xi32, #tpu.memory_space<hbm>>) target(%arg7 : memref<79x128xi32, #tpu.memory_space<vmem>>) target_semaphore(%run_scoped3A : memref<!tpu.dma_semaphore, #tpu.memory_space<semaphore_mem>>)
      %dma_wait3A = arith.constant 0 : i32
      %dma_wait3A_18 = arith.constant 0 : i32
      %dma_wait3A_19 = tpu.memref_slice %arg3[%arg0, %arg1, %dma_wait3A, %dma_wait3A_18] : memref<2x16x79x128xi32, #tpu.memory_space<hbm>> -> memref<1x1x79x128xi32, #tpu.memory_space<hbm>>
      %dma_wait3A_20 = tpu.memref_squeeze %dma_wait3A_19 : memref<1x1x79x128xi32, #tpu.memory_space<hbm>> -> memref<79x128xi32, #tpu.memory_space<hbm>>
      %dma_wait3A_21 = arith.constant 0 : i32
      %dma_wait3A_22 = arith.constant 0 : i32
      %dma_wait3A_23 = tpu.memref_slice %arg3[%arg0, %arg1, %dma_wait3A_21, %dma_wait3A_22] : memref<2x16x79x128xi32, #tpu.memory_space<hbm>> -> memref<1x1x79x128xi32, #tpu.memory_space<hbm>>
      %dma_wait3A_24 = tpu.memref_squeeze %dma_wait3A_23 : memref<1x1x79x128xi32, #tpu.memory_space<hbm>> -> memref<79x128xi32, #tpu.memory_space<hbm>>
      tpu.wait_dma2 semaphore(%run_scoped3A : memref<!tpu.dma_semaphore, #tpu.memory_space<semaphore_mem>>) src(%dma_wait3A_24 : memref<79x128xi32, #tpu.memory_space<hbm>>) dst(%arg7 : memref<79x128xi32, #tpu.memory_space<vmem>>)
      tpu.yield
    }) : () -> ()
    "tpu.region"() ({
      %run_scoped3A = tpu.sem_alloc : memref<!tpu.dma_semaphore, #tpu.memory_space<semaphore_mem>>
      %dma_start3A = arith.constant 0 : i32
      %dma_start3A_11 = arith.constant 0 : i32
      %dma_start3A_12 = tpu.memref_slice %arg4[%arg1, %dma_start3A, %dma_start3A_11] : memref<16x79x128xi32, #tpu.memory_space<hbm>> -> memref<1x79x128xi32, #tpu.memory_space<hbm>>
      %dma_start3A_13 = tpu.memref_squeeze %dma_start3A_12 : memref<1x79x128xi32, #tpu.memory_space<hbm>> -> memref<79x128xi32, #tpu.memory_space<hbm>>
      %dma_start3A_14 = arith.constant 0 : i32
      %dma_start3A_15 = arith.constant 0 : i32
      %dma_start3A_16 = tpu.memref_slice %arg4[%arg1, %dma_start3A_14, %dma_start3A_15] : memref<16x79x128xi32, #tpu.memory_space<hbm>> -> memref<1x79x128xi32, #tpu.memory_space<hbm>>
      %dma_start3A_17 = tpu.memref_squeeze %dma_start3A_16 : memref<1x79x128xi32, #tpu.memory_space<hbm>> -> memref<79x128xi32, #tpu.memory_space<hbm>>
      tpu.enqueue_dma source(%dma_start3A_17 : memref<79x128xi32, #tpu.memory_space<hbm>>) target(%arg8 : memref<79x128xi32, #tpu.memory_space<vmem>>) target_semaphore(%run_scoped3A : memref<!tpu.dma_semaphore, #tpu.memory_space<semaphore_mem>>)
      %dma_wait3A = arith.constant 0 : i32
      %dma_wait3A_18 = arith.constant 0 : i32
      %dma_wait3A_19 = tpu.memref_slice %arg4[%arg1, %dma_wait3A, %dma_wait3A_18] : memref<16x79x128xi32, #tpu.memory_space<hbm>> -> memref<1x79x128xi32, #tpu.memory_space<hbm>>
      %dma_wait3A_20 = tpu.memref_squeeze %dma_wait3A_19 : memref<1x79x128xi32, #tpu.memory_space<hbm>> -> memref<79x128xi32, #tpu.memory_space<hbm>>
      %dma_wait3A_21 = arith.constant 0 : i32
      %dma_wait3A_22 = arith.constant 0 : i32
      %dma_wait3A_23 = tpu.memref_slice %arg4[%arg1, %dma_wait3A_21, %dma_wait3A_22] : memref<16x79x128xi32, #tpu.memory_space<hbm>> -> memref<1x79x128xi32, #tpu.memory_space<hbm>>
      %dma_wait3A_24 = tpu.memref_squeeze %dma_wait3A_23 : memref<1x79x128xi32, #tpu.memory_space<hbm>> -> memref<79x128xi32, #tpu.memory_space<hbm>>
      tpu.wait_dma2 semaphore(%run_scoped3A : memref<!tpu.dma_semaphore, #tpu.memory_space<semaphore_mem>>) src(%dma_wait3A_24 : memref<79x128xi32, #tpu.memory_space<hbm>>) dst(%arg8 : memref<79x128xi32, #tpu.memory_space<vmem>>)
      tpu.yield
    }) : () -> ()
    %mul3A = arith.constant 632 : i32
    %mul3A_0 = arith.muli %arg1, %mul3A : i32
    "tpu.region"() ({
      %run_scoped3A = tpu.sem_alloc : memref<!tpu.dma_semaphore, #tpu.memory_space<semaphore_mem>>
      %dma_start3A = arith.constant 0 : i32
      %dma_start3A_11 = tpu.memref_slice %arg10[%mul3A_0, %dma_start3A] : memref<10112x128xf32, #tpu.memory_space<vmem_shared>> -> memref<632x128xf32, #tpu.memory_space<vmem_shared>>
      tpu.enqueue_dma source(%arg5 : memref<632x128xf32, #tpu.memory_space<hbm>>) target(%dma_start3A_11 : memref<632x128xf32, #tpu.memory_space<vmem_shared>>) target_semaphore(%run_scoped3A : memref<!tpu.dma_semaphore, #tpu.memory_space<semaphore_mem>>)
      %dma_wait3A = arith.constant 0 : i32
      %dma_wait3A_12 = tpu.memref_slice %arg10[%mul3A_0, %dma_wait3A] : memref<10112x128xf32, #tpu.memory_space<vmem_shared>> -> memref<632x128xf32, #tpu.memory_space<vmem_shared>>
      tpu.wait_dma2 semaphore(%run_scoped3A : memref<!tpu.dma_semaphore, #tpu.memory_space<semaphore_mem>>) src(%arg5 : memref<632x128xf32, #tpu.memory_space<hbm>>) dst(%dma_wait3A_12 : memref<632x128xf32, #tpu.memory_space<vmem_shared>>)
      tpu.yield
    }) : () -> ()
    %barrier3A = arith.constant 0 : index
    tpu.barrier barrier_id(%barrier3A)
    %scan3A = arith.constant 0 : i32
    %scan3A_1 = arith.constant 0 : i32
    %scan3A_2 = arith.constant 79 : i32
    %scan3A_3 = arith.addi %scan3A_1, %scan3A_2 : i32
    %scan3A_4 = arith.constant 1 : i32
    scf.for %scan3A_11 = %scan3A_1 to %scan3A_3 step %scan3A_4  : i32 {
      %dma_start3A = arith.constant 0 : i32
      %dma_start3A_12 = tpu.memref_slice %arg7[%scan3A_11, %dma_start3A] : memref<79x128xi32, #tpu.memory_space<vmem>> -> memref<1x128xi32, #tpu.memory_space<vmem>>
      %dma_start3A_13 = tpu.memref_squeeze %dma_start3A_12 : memref<1x128xi32, #tpu.memory_space<vmem>> -> memref<128xi32, #tpu.memory_space<vmem>>
      %dma_start3A_14 = arith.constant 0 : i32
      %dma_start3A_15 = arith.constant 0 : i32
      %dma_start3A_16 = tpu.memref_slice %arg2[%dma_start3A_14, %dma_start3A_15] : memref<20224x128xf32, #tpu.memory_space<hbm>> -> memref<20224x128xf32, #tpu.memory_space<hbm>>
      tpu.enqueue_indirect_dma source(%dma_start3A_16 : memref<20224x128xf32, #tpu.memory_space<hbm>>) target(%arg9 : memref<128x128xf32, #tpu.memory_space<vmem>>) offsets(%dma_start3A_13 : memref<128xi32, #tpu.memory_space<vmem>>) semaphore(%arg11 : memref<!tpu.dma_semaphore, #tpu.memory_space<semaphore_mem>>)
      %dma_wait3A = arith.constant 0 : i32
      %dma_wait3A_17 = tpu.memref_slice %arg7[%scan3A_11, %dma_wait3A] : memref<79x128xi32, #tpu.memory_space<vmem>> -> memref<1x128xi32, #tpu.memory_space<vmem>>
      %dma_wait3A_18 = tpu.memref_squeeze %dma_wait3A_17 : memref<1x128xi32, #tpu.memory_space<vmem>> -> memref<128xi32, #tpu.memory_space<vmem>>
      %dma_wait3A_19 = arith.constant 0 : i32
      %dma_wait3A_20 = arith.constant 0 : i32
      %dma_wait3A_21 = tpu.memref_slice %arg2[%dma_wait3A_19, %dma_wait3A_20] : memref<20224x128xf32, #tpu.memory_space<hbm>> -> memref<20224x128xf32, #tpu.memory_space<hbm>>
      tpu.wait_indirect_dma semaphore(%arg11 : memref<!tpu.dma_semaphore, #tpu.memory_space<semaphore_mem>>) src(%dma_wait3A_21 : memref<20224x128xf32, #tpu.memory_space<hbm>>) dst(%arg9 : memref<128x128xf32, #tpu.memory_space<vmem>>)
      "tpu.region"() ({
        %run_scoped3A = tpu.sem_alloc : memref<!tpu.dma_semaphore, #tpu.memory_space<semaphore_mem>>
        %dma_start3A_22 = arith.constant 0 : i32
        %dma_start3A_23 = tpu.memref_slice %arg8[%scan3A_11, %dma_start3A_22] : memref<79x128xi32, #tpu.memory_space<vmem>> -> memref<1x128xi32, #tpu.memory_space<vmem>>
        %dma_start3A_24 = tpu.memref_squeeze %dma_start3A_23 : memref<1x128xi32, #tpu.memory_space<vmem>> -> memref<128xi32, #tpu.memory_space<vmem>>
        %dma_start3A_25 = arith.constant 0 : i32
        %dma_start3A_26 = arith.constant 0 : i32
        %dma_start3A_27 = tpu.memref_slice %arg10[%dma_start3A_25, %dma_start3A_26] : memref<10112x128xf32, #tpu.memory_space<vmem_shared>> -> memref<10112x128xf32, #tpu.memory_space<vmem_shared>>
        tpu.enqueue_indirect_dma source(%arg9 : memref<128x128xf32, #tpu.memory_space<vmem>>) target(%dma_start3A_27 : memref<10112x128xf32, #tpu.memory_space<vmem_shared>>) offsets(%dma_start3A_24 : memref<128xi32, #tpu.memory_space<vmem>>) semaphore(%run_scoped3A : memref<!tpu.dma_semaphore, #tpu.memory_space<semaphore_mem>>) {add = true}
        %dma_wait3A_28 = arith.constant 0 : i32
        %dma_wait3A_29 = tpu.memref_slice %arg8[%scan3A_11, %dma_wait3A_28] : memref<79x128xi32, #tpu.memory_space<vmem>> -> memref<1x128xi32, #tpu.memory_space<vmem>>
        %dma_wait3A_30 = tpu.memref_squeeze %dma_wait3A_29 : memref<1x128xi32, #tpu.memory_space<vmem>> -> memref<128xi32, #tpu.memory_space<vmem>>
        %dma_wait3A_31 = arith.constant 0 : i32
        %dma_wait3A_32 = arith.constant 0 : i32
        %dma_wait3A_33 = tpu.memref_slice %arg10[%dma_wait3A_31, %dma_wait3A_32] : memref<10112x128xf32, #tpu.memory_space<vmem_shared>> -> memref<10112x128xf32, #tpu.memory_space<vmem_shared>>
        tpu.wait_indirect_dma semaphore(%run_scoped3A : memref<!tpu.dma_semaphore, #tpu.memory_space<semaphore_mem>>) src(%arg9 : memref<128x128xf32, #tpu.memory_space<vmem>>) dst(%dma_wait3A_33 : memref<10112x128xf32, #tpu.memory_space<vmem_shared>>)
        tpu.yield
      }) : () -> ()
    }
    %scan3A_5 = arith.constant 79 : i32
    %barrier3A_6 = arith.constant 0 : index
    tpu.barrier barrier_id(%barrier3A_6)
    %mul3A_7 = arith.constant 632 : i32
    %mul3A_8 = arith.muli %arg1, %mul3A_7 : i32
    %mul3A_9 = arith.constant 632 : i32
    %mul3A_10 = arith.muli %arg1, %mul3A_9 : i32
    "tpu.region"() ({
      %run_scoped3A = tpu.sem_alloc : memref<!tpu.dma_semaphore, #tpu.memory_space<semaphore_mem>>
      %dma_start3A = arith.constant 0 : i32
      %dma_start3A_11 = tpu.memref_slice %arg6[%arg0, %mul3A_10, %dma_start3A] : memref<2x10112x128xf32, #tpu.memory_space<hbm>> -> memref<1x632x128xf32, #tpu.memory_space<hbm>>
      %dma_start3A_12 = tpu.memref_squeeze %dma_start3A_11 : memref<1x632x128xf32, #tpu.memory_space<hbm>> -> memref<632x128xf32, #tpu.memory_space<hbm>>
      %dma_start3A_13 = arith.constant 0 : i32
      %dma_start3A_14 = tpu.memref_slice %arg10[%mul3A_8, %dma_start3A_13] : memref<10112x128xf32, #tpu.memory_space<vmem_shared>> -> memref<632x128xf32, #tpu.memory_space<vmem_shared>>
      tpu.enqueue_dma source(%dma_start3A_14 : memref<632x128xf32, #tpu.memory_space<vmem_shared>>) target(%dma_start3A_12 : memref<632x128xf32, #tpu.memory_space<hbm>>) target_semaphore(%run_scoped3A : memref<!tpu.dma_semaphore, #tpu.memory_space<semaphore_mem>>)
      %dma_wait3A = arith.constant 0 : i32
      %dma_wait3A_15 = tpu.memref_slice %arg6[%arg0, %mul3A_10, %dma_wait3A] : memref<2x10112x128xf32, #tpu.memory_space<hbm>> -> memref<1x632x128xf32, #tpu.memory_space<hbm>>
      %dma_wait3A_16 = tpu.memref_squeeze %dma_wait3A_15 : memref<1x632x128xf32, #tpu.memory_space<hbm>> -> memref<632x128xf32, #tpu.memory_space<hbm>>
      %dma_wait3A_17 = arith.constant 0 : i32
      %dma_wait3A_18 = tpu.memref_slice %arg10[%mul3A_8, %dma_wait3A_17] : memref<10112x128xf32, #tpu.memory_space<vmem_shared>> -> memref<632x128xf32, #tpu.memory_space<vmem_shared>>
      tpu.wait_dma2 semaphore(%run_scoped3A : memref<!tpu.dma_semaphore, #tpu.memory_space<semaphore_mem>>) src(%dma_wait3A_18 : memref<632x128xf32, #tpu.memory_space<vmem_shared>>) dst(%dma_wait3A_16 : memref<632x128xf32, #tpu.memory_space<hbm>>)
      tpu.yield
    }) : () -> ()
    return
  }
}

#map = affine_map<(d0, d1) -> (0, 0)>
#map1 = affine_map<(d0, d1) -> (0, 0, 0, 0)>
#map2 = affine_map<(d0, d1) -> (0, 0, 0)>
module attributes {stable_mosaic.version = 14 : i64} {
  func.func @agg_kernel(%arg0: i32, %arg1: i32, %arg2: memref<20224x128xf32, #tpu.memory_space<hbm>>, %arg3: memref<2x16x79x128xi32, #tpu.memory_space<hbm>>, %arg4: memref<16x79x128xi32, #tpu.memory_space<hbm>>, %arg5: memref<632x128xf32, #tpu.memory_space<hbm>>, %arg6: memref<2x10112x128xf32, #tpu.memory_space<hbm>>, %arg7: memref<79x128xi32, #tpu.memory_space<vmem>>, %arg8: memref<79x128xi32, #tpu.memory_space<vmem>>, %arg9: memref<128x128xf32, #tpu.memory_space<vmem>>, %arg10: memref<10112x128xf32, #tpu.memory_space<vmem_shared>>, %arg11: memref<!tpu.dma_semaphore, #tpu.memory_space<semaphore_mem>>) attributes {dimension_semantics = [#tpu.dimension_semantics<core_parallel>, #tpu.dimension_semantics<subcore_parallel>], iteration_bounds = array<i64: 2, 16>, scalar_prefetch = 0 : i64, scratch_operands = 5 : i64, tpu.core_type = #tpu.core_type<sc_vector_subcore>, window_params = [{transform_indices = #map}, {transform_indices = #map1}, {transform_indices = #map2}, {transform_indices = #map}, {transform_indices = #map2}]} {
    "tpu.region"() ({
      %run_scoped3A = tpu.sem_alloc : memref<!tpu.dma_semaphore, #tpu.memory_space<semaphore_mem>>
      %dma_start3A = arith.constant 0 : i32
      %dma_start3A_11 = arith.constant 0 : i32
      %dma_start3A_12 = tpu.memref_slice %arg3[%arg0, %arg1, %dma_start3A, %dma_start3A_11] : memref<2x16x79x128xi32, #tpu.memory_space<hbm>> -> memref<1x1x79x128xi32, #tpu.memory_space<hbm>>
      %dma_start3A_13 = tpu.memref_squeeze %dma_start3A_12 : memref<1x1x79x128xi32, #tpu.memory_space<hbm>> -> memref<79x128xi32, #tpu.memory_space<hbm>>
      %dma_start3A_14 = arith.constant 0 : i32
      %dma_start3A_15 = arith.constant 0 : i32
      %dma_start3A_16 = tpu.memref_slice %arg3[%arg0, %arg1, %dma_start3A_14, %dma_start3A_15] : memref<2x16x79x128xi32, #tpu.memory_space<hbm>> -> memref<1x1x79x128xi32, #tpu.memory_space<hbm>>
      %dma_start3A_17 = tpu.memref_squeeze %dma_start3A_16 : memref<1x1x79x128xi32, #tpu.memory_space<hbm>> -> memref<79x128xi32, #tpu.memory_space<hbm>>
      tpu.enqueue_dma source(%dma_start3A_17 : memref<79x128xi32, #tpu.memory_space<hbm>>) target(%arg7 : memref<79x128xi32, #tpu.memory_space<vmem>>) target_semaphore(%run_scoped3A : memref<!tpu.dma_semaphore, #tpu.memory_space<semaphore_mem>>)
      %dma_wait3A = arith.constant 0 : i32
      %dma_wait3A_18 = arith.constant 0 : i32
      %dma_wait3A_19 = tpu.memref_slice %arg3[%arg0, %arg1, %dma_wait3A, %dma_wait3A_18] : memref<2x16x79x128xi32, #tpu.memory_space<hbm>> -> memref<1x1x79x128xi32, #tpu.memory_space<hbm>>
      %dma_wait3A_20 = tpu.memref_squeeze %dma_wait3A_19 : memref<1x1x79x128xi32, #tpu.memory_space<hbm>> -> memref<79x128xi32, #tpu.memory_space<hbm>>
      %dma_wait3A_21 = arith.constant 0 : i32
      %dma_wait3A_22 = arith.constant 0 : i32
      %dma_wait3A_23 = tpu.memref_slice %arg3[%arg0, %arg1, %dma_wait3A_21, %dma_wait3A_22] : memref<2x16x79x128xi32, #tpu.memory_space<hbm>> -> memref<1x1x79x128xi32, #tpu.memory_space<hbm>>
      %dma_wait3A_24 = tpu.memref_squeeze %dma_wait3A_23 : memref<1x1x79x128xi32, #tpu.memory_space<hbm>> -> memref<79x128xi32, #tpu.memory_space<hbm>>
      tpu.wait_dma2 semaphore(%run_scoped3A : memref<!tpu.dma_semaphore, #tpu.memory_space<semaphore_mem>>) src(%dma_wait3A_24 : memref<79x128xi32, #tpu.memory_space<hbm>>) dst(%arg7 : memref<79x128xi32, #tpu.memory_space<vmem>>)
      tpu.yield
    }) : () -> ()
    "tpu.region"() ({
      %run_scoped3A = tpu.sem_alloc : memref<!tpu.dma_semaphore, #tpu.memory_space<semaphore_mem>>
      %dma_start3A = arith.constant 0 : i32
      %dma_start3A_11 = arith.constant 0 : i32
      %dma_start3A_12 = tpu.memref_slice %arg4[%arg1, %dma_start3A, %dma_start3A_11] : memref<16x79x128xi32, #tpu.memory_space<hbm>> -> memref<1x79x128xi32, #tpu.memory_space<hbm>>
      %dma_start3A_13 = tpu.memref_squeeze %dma_start3A_12 : memref<1x79x128xi32, #tpu.memory_space<hbm>> -> memref<79x128xi32, #tpu.memory_space<hbm>>
      %dma_start3A_14 = arith.constant 0 : i32
      %dma_start3A_15 = arith.constant 0 : i32
      %dma_start3A_16 = tpu.memref_slice %arg4[%arg1, %dma_start3A_14, %dma_start3A_15] : memref<16x79x128xi32, #tpu.memory_space<hbm>> -> memref<1x79x128xi32, #tpu.memory_space<hbm>>
      %dma_start3A_17 = tpu.memref_squeeze %dma_start3A_16 : memref<1x79x128xi32, #tpu.memory_space<hbm>> -> memref<79x128xi32, #tpu.memory_space<hbm>>
      tpu.enqueue_dma source(%dma_start3A_17 : memref<79x128xi32, #tpu.memory_space<hbm>>) target(%arg8 : memref<79x128xi32, #tpu.memory_space<vmem>>) target_semaphore(%run_scoped3A : memref<!tpu.dma_semaphore, #tpu.memory_space<semaphore_mem>>)
      %dma_wait3A = arith.constant 0 : i32
      %dma_wait3A_18 = arith.constant 0 : i32
      %dma_wait3A_19 = tpu.memref_slice %arg4[%arg1, %dma_wait3A, %dma_wait3A_18] : memref<16x79x128xi32, #tpu.memory_space<hbm>> -> memref<1x79x128xi32, #tpu.memory_space<hbm>>
      %dma_wait3A_20 = tpu.memref_squeeze %dma_wait3A_19 : memref<1x79x128xi32, #tpu.memory_space<hbm>> -> memref<79x128xi32, #tpu.memory_space<hbm>>
      %dma_wait3A_21 = arith.constant 0 : i32
      %dma_wait3A_22 = arith.constant 0 : i32
      %dma_wait3A_23 = tpu.memref_slice %arg4[%arg1, %dma_wait3A_21, %dma_wait3A_22] : memref<16x79x128xi32, #tpu.memory_space<hbm>> -> memref<1x79x128xi32, #tpu.memory_space<hbm>>
      %dma_wait3A_24 = tpu.memref_squeeze %dma_wait3A_23 : memref<1x79x128xi32, #tpu.memory_space<hbm>> -> memref<79x128xi32, #tpu.memory_space<hbm>>
      tpu.wait_dma2 semaphore(%run_scoped3A : memref<!tpu.dma_semaphore, #tpu.memory_space<semaphore_mem>>) src(%dma_wait3A_24 : memref<79x128xi32, #tpu.memory_space<hbm>>) dst(%arg8 : memref<79x128xi32, #tpu.memory_space<vmem>>)
      tpu.yield
    }) : () -> ()
    %mul3A = arith.constant 632 : i32
    %mul3A_0 = arith.muli %arg1, %mul3A : i32
    "tpu.region"() ({
      %run_scoped3A = tpu.sem_alloc : memref<!tpu.dma_semaphore, #tpu.memory_space<semaphore_mem>>
      %dma_start3A = arith.constant 0 : i32
      %dma_start3A_11 = tpu.memref_slice %arg10[%mul3A_0, %dma_start3A] : memref<10112x128xf32, #tpu.memory_space<vmem_shared>> -> memref<632x128xf32, #tpu.memory_space<vmem_shared>>
      tpu.enqueue_dma source(%arg5 : memref<632x128xf32, #tpu.memory_space<hbm>>) target(%dma_start3A_11 : memref<632x128xf32, #tpu.memory_space<vmem_shared>>) target_semaphore(%run_scoped3A : memref<!tpu.dma_semaphore, #tpu.memory_space<semaphore_mem>>)
      %dma_wait3A = arith.constant 0 : i32
      %dma_wait3A_12 = tpu.memref_slice %arg10[%mul3A_0, %dma_wait3A] : memref<10112x128xf32, #tpu.memory_space<vmem_shared>> -> memref<632x128xf32, #tpu.memory_space<vmem_shared>>
      tpu.wait_dma2 semaphore(%run_scoped3A : memref<!tpu.dma_semaphore, #tpu.memory_space<semaphore_mem>>) src(%arg5 : memref<632x128xf32, #tpu.memory_space<hbm>>) dst(%dma_wait3A_12 : memref<632x128xf32, #tpu.memory_space<vmem_shared>>)
      tpu.yield
    }) : () -> ()
    %barrier3A = arith.constant 0 : index
    tpu.barrier barrier_id(%barrier3A)
    %scan3A = arith.constant 0 : i32
    %scan3A_1 = arith.constant 0 : i32
    %scan3A_2 = arith.constant 79 : i32
    %scan3A_3 = arith.addi %scan3A_1, %scan3A_2 : i32
    %scan3A_4 = arith.constant 1 : i32
    scf.for %scan3A_11 = %scan3A_1 to %scan3A_3 step %scan3A_4  : i32 {
      %dma_start3A = arith.constant 0 : i32
      %dma_start3A_12 = tpu.memref_slice %arg7[%scan3A_11, %dma_start3A] : memref<79x128xi32, #tpu.memory_space<vmem>> -> memref<1x128xi32, #tpu.memory_space<vmem>>
      %dma_start3A_13 = tpu.memref_squeeze %dma_start3A_12 : memref<1x128xi32, #tpu.memory_space<vmem>> -> memref<128xi32, #tpu.memory_space<vmem>>
      %dma_start3A_14 = arith.constant 0 : i32
      %dma_start3A_15 = arith.constant 0 : i32
      %dma_start3A_16 = tpu.memref_slice %arg2[%dma_start3A_14, %dma_start3A_15] : memref<20224x128xf32, #tpu.memory_space<hbm>> -> memref<20224x128xf32, #tpu.memory_space<hbm>>
      tpu.enqueue_indirect_dma source(%dma_start3A_16 : memref<20224x128xf32, #tpu.memory_space<hbm>>) target(%arg9 : memref<128x128xf32, #tpu.memory_space<vmem>>) offsets(%dma_start3A_13 : memref<128xi32, #tpu.memory_space<vmem>>) semaphore(%arg11 : memref<!tpu.dma_semaphore, #tpu.memory_space<semaphore_mem>>)
      %dma_wait3A = arith.constant 0 : i32
      %dma_wait3A_17 = tpu.memref_slice %arg7[%scan3A_11, %dma_wait3A] : memref<79x128xi32, #tpu.memory_space<vmem>> -> memref<1x128xi32, #tpu.memory_space<vmem>>
      %dma_wait3A_18 = tpu.memref_squeeze %dma_wait3A_17 : memref<1x128xi32, #tpu.memory_space<vmem>> -> memref<128xi32, #tpu.memory_space<vmem>>
      %dma_wait3A_19 = arith.constant 0 : i32
      %dma_wait3A_20 = arith.constant 0 : i32
      %dma_wait3A_21 = tpu.memref_slice %arg2[%dma_wait3A_19, %dma_wait3A_20] : memref<20224x128xf32, #tpu.memory_space<hbm>> -> memref<20224x128xf32, #tpu.memory_space<hbm>>
      tpu.wait_indirect_dma semaphore(%arg11 : memref<!tpu.dma_semaphore, #tpu.memory_space<semaphore_mem>>) src(%dma_wait3A_21 : memref<20224x128xf32, #tpu.memory_space<hbm>>) dst(%arg9 : memref<128x128xf32, #tpu.memory_space<vmem>>)
      "tpu.region"() ({
        %run_scoped3A = tpu.sem_alloc : memref<!tpu.dma_semaphore, #tpu.memory_space<semaphore_mem>>
        %dma_start3A_22 = arith.constant 0 : i32
        %dma_start3A_23 = tpu.memref_slice %arg8[%scan3A_11, %dma_start3A_22] : memref<79x128xi32, #tpu.memory_space<vmem>> -> memref<1x128xi32, #tpu.memory_space<vmem>>
        %dma_start3A_24 = tpu.memref_squeeze %dma_start3A_23 : memref<1x128xi32, #tpu.memory_space<vmem>> -> memref<128xi32, #tpu.memory_space<vmem>>
        %dma_start3A_25 = arith.constant 0 : i32
        %dma_start3A_26 = arith.constant 0 : i32
        %dma_start3A_27 = tpu.memref_slice %arg10[%dma_start3A_25, %dma_start3A_26] : memref<10112x128xf32, #tpu.memory_space<vmem_shared>> -> memref<10112x128xf32, #tpu.memory_space<vmem_shared>>
        tpu.enqueue_indirect_dma source(%arg9 : memref<128x128xf32, #tpu.memory_space<vmem>>) target(%dma_start3A_27 : memref<10112x128xf32, #tpu.memory_space<vmem_shared>>) offsets(%dma_start3A_24 : memref<128xi32, #tpu.memory_space<vmem>>) semaphore(%run_scoped3A : memref<!tpu.dma_semaphore, #tpu.memory_space<semaphore_mem>>) {add = true}
        %dma_wait3A_28 = arith.constant 0 : i32
        %dma_wait3A_29 = tpu.memref_slice %arg8[%scan3A_11, %dma_wait3A_28] : memref<79x128xi32, #tpu.memory_space<vmem>> -> memref<1x128xi32, #tpu.memory_space<vmem>>
        %dma_wait3A_30 = tpu.memref_squeeze %dma_wait3A_29 : memref<1x128xi32, #tpu.memory_space<vmem>> -> memref<128xi32, #tpu.memory_space<vmem>>
        %dma_wait3A_31 = arith.constant 0 : i32
        %dma_wait3A_32 = arith.constant 0 : i32
        %dma_wait3A_33 = tpu.memref_slice %arg10[%dma_wait3A_31, %dma_wait3A_32] : memref<10112x128xf32, #tpu.memory_space<vmem_shared>> -> memref<10112x128xf32, #tpu.memory_space<vmem_shared>>
        tpu.wait_indirect_dma semaphore(%run_scoped3A : memref<!tpu.dma_semaphore, #tpu.memory_space<semaphore_mem>>) src(%arg9 : memref<128x128xf32, #tpu.memory_space<vmem>>) dst(%dma_wait3A_33 : memref<10112x128xf32, #tpu.memory_space<vmem_shared>>)
        tpu.yield
      }) : () -> ()
    }
    %scan3A_5 = arith.constant 79 : i32
    %barrier3A_6 = arith.constant 0 : index
    tpu.barrier barrier_id(%barrier3A_6)
    %mul3A_7 = arith.constant 632 : i32
    %mul3A_8 = arith.muli %arg1, %mul3A_7 : i32
    %mul3A_9 = arith.constant 632 : i32
    %mul3A_10 = arith.muli %arg1, %mul3A_9 : i32
    "tpu.region"() ({
      %run_scoped3A = tpu.sem_alloc : memref<!tpu.dma_semaphore, #tpu.memory_space<semaphore_mem>>
      %dma_start3A = arith.constant 0 : i32
      %dma_start3A_11 = tpu.memref_slice %arg6[%arg0, %mul3A_10, %dma_start3A] : memref<2x10112x128xf32, #tpu.memory_space<hbm>> -> memref<1x632x128xf32, #tpu.memory_space<hbm>>
      %dma_start3A_12 = tpu.memref_squeeze %dma_start3A_11 : memref<1x632x128xf32, #tpu.memory_space<hbm>> -> memref<632x128xf32, #tpu.memory_space<hbm>>
      %dma_start3A_13 = arith.constant 0 : i32
      %dma_start3A_14 = tpu.memref_slice %arg10[%mul3A_8, %dma_start3A_13] : memref<10112x128xf32, #tpu.memory_space<vmem_shared>> -> memref<632x128xf32, #tpu.memory_space<vmem_shared>>
      tpu.enqueue_dma source(%dma_start3A_14 : memref<632x128xf32, #tpu.memory_space<vmem_shared>>) target(%dma_start3A_12 : memref<632x128xf32, #tpu.memory_space<hbm>>) target_semaphore(%run_scoped3A : memref<!tpu.dma_semaphore, #tpu.memory_space<semaphore_mem>>)
      %dma_wait3A = arith.constant 0 : i32
      %dma_wait3A_15 = tpu.memref_slice %arg6[%arg0, %mul3A_10, %dma_wait3A] : memref<2x10112x128xf32, #tpu.memory_space<hbm>> -> memref<1x632x128xf32, #tpu.memory_space<hbm>>
      %dma_wait3A_16 = tpu.memref_squeeze %dma_wait3A_15 : memref<1x632x128xf32, #tpu.memory_space<hbm>> -> memref<632x128xf32, #tpu.memory_space<hbm>>
      %dma_wait3A_17 = arith.constant 0 : i32
      %dma_wait3A_18 = tpu.memref_slice %arg10[%mul3A_8, %dma_wait3A_17] : memref<10112x128xf32, #tpu.memory_space<vmem_shared>> -> memref<632x128xf32, #tpu.memory_space<vmem_shared>>
      tpu.wait_dma2 semaphore(%run_scoped3A : memref<!tpu.dma_semaphore, #tpu.memory_space<semaphore_mem>>) src(%dma_wait3A_18 : memref<632x128xf32, #tpu.memory_space<vmem_shared>>) dst(%dma_wait3A_16 : memref<632x128xf32, #tpu.memory_space<hbm>>)
      tpu.yield
    }) : () -> ()
    return
  }
}

module attributes {stable_mosaic.version = 14 : i64} {
  func.func @_mlp_body(%arg0: i32, %arg1: memref<2x2000x128xf32, #tpu.memory_space<vmem>>, %arg2: memref<2x2000x128xf32, #tpu.memory_space<vmem>>, %arg3: memref<256x256xf32, #tpu.memory_space<vmem>>, %arg4: memref<1x256xf32, #tpu.memory_space<vmem>>, %arg5: memref<256x256xf32, #tpu.memory_space<vmem>>, %arg6: memref<1x256xf32, #tpu.memory_space<vmem>>, %arg7: memref<2x2000x128xf32, #tpu.memory_space<vmem>>) attributes {dimension_semantics = [#tpu.dimension_semantics<arbitrary>], iteration_bounds = array<i64: 5>, scalar_prefetch = 0 : i64, scratch_operands = 0 : i64, tpu.core_type = #tpu.core_type<tc>, window_params = [{transform_indices = @transform_0, window_bounds = array<i64: 2, 2000, 128>}, {transform_indices = @transform_1, window_bounds = array<i64: 2, 2000, 128>}, {pipeline_mode = #tpu.pipeline_mode<synchronous>, transform_indices = @transform_2, window_bounds = array<i64: 256, 256>}, {pipeline_mode = #tpu.pipeline_mode<synchronous>, transform_indices = @transform_3, window_bounds = array<i64: 1, 256>}, {pipeline_mode = #tpu.pipeline_mode<synchronous>, transform_indices = @transform_4, window_bounds = array<i64: 256, 256>}, {pipeline_mode = #tpu.pipeline_mode<synchronous>, transform_indices = @transform_5, window_bounds = array<i64: 1, 256>}, {transform_indices = @transform_6, window_bounds = array<i64: 2, 2000, 128>}]} {
    %get3A = arith.constant 0 : index
    %get3A_0 = arith.constant 0 : index
    %get3A_1 = arith.constant 0 : index
    %get3A_2 = vector.load %arg1[%get3A, %get3A_0, %get3A_1] : memref<2x2000x128xf32, #tpu.memory_space<vmem>>, vector<1x2000x128xf32>
    %get3A_3 = vector.shape_cast %get3A_2 : vector<1x2000x128xf32> to vector<2000x128xf32>
    %get3A_4 = arith.constant 0 : index
    %get3A_5 = arith.constant 0 : index
    %get3A_6 = arith.constant 0 : index
    %get3A_7 = vector.load %arg2[%get3A_4, %get3A_5, %get3A_6] : memref<2x2000x128xf32, #tpu.memory_space<vmem>>, vector<1x2000x128xf32>
    %get3A_8 = vector.shape_cast %get3A_7 : vector<1x2000x128xf32> to vector<2000x128xf32>
    %add3A = arith.addf %get3A_3, %get3A_8 : vector<2000x128xf32>
    %get3A_9 = arith.constant 1 : index
    %get3A_10 = arith.constant 0 : index
    %get3A_11 = arith.constant 0 : index
    %get3A_12 = vector.load %arg1[%get3A_9, %get3A_10, %get3A_11] : memref<2x2000x128xf32, #tpu.memory_space<vmem>>, vector<1x2000x128xf32>
    %get3A_13 = vector.shape_cast %get3A_12 : vector<1x2000x128xf32> to vector<2000x128xf32>
    %get3A_14 = arith.constant 1 : index
    %get3A_15 = arith.constant 0 : index
    %get3A_16 = arith.constant 0 : index
    %get3A_17 = vector.load %arg2[%get3A_14, %get3A_15, %get3A_16] : memref<2x2000x128xf32, #tpu.memory_space<vmem>>, vector<1x2000x128xf32>
    %get3A_18 = vector.shape_cast %get3A_17 : vector<1x2000x128xf32> to vector<2000x128xf32>
    %add3A_19 = arith.addf %get3A_13, %get3A_18 : vector<2000x128xf32>
    %concatenate3A = tpu.concatenate %add3A, %add3A_19 in 1 : vector<2000x128xf32>, vector<2000x128xf32> -> vector<2000x256xf32>
    %get3A_20 = arith.constant 0 : index
    %get3A_21 = arith.constant 0 : index
    %get3A_22 = vector.load %arg3[%get3A_20, %get3A_21] : memref<256x256xf32, #tpu.memory_space<vmem>>, vector<256x256xf32>
    %dot_general3A = arith.constant dense<0.000000e+00> : vector<2000x256xf32>
    %dot_general3A_23 = tpu.matmul %concatenate3A, %get3A_22, %dot_general3A {dimension_numbers = #tpu.dot_dimension_numbers<[1], [0], [0], [1], [0, 0, 1, 1], [], []>, transpose_lhs_hint = false} : vector<2000x256xf32>, vector<256x256xf32>, vector<2000x256xf32> -> vector<2000x256xf32>
    %get3A_24 = arith.constant 0 : index
    %get3A_25 = arith.constant 0 : index
    %get3A_26 = vector.load %arg4[%get3A_24, %get3A_25] : memref<1x256xf32, #tpu.memory_space<vmem>>, vector<1x256xf32>
    %add3A_27 = vector.broadcast %get3A_26 : vector<1x256xf32> to vector<2000x256xf32>
    %add3A_28 = arith.addf %dot_general3A_23, %add3A_27 : vector<2000x256xf32>
    %max3A = arith.constant 0.000000e+00 : f32
    %max3A_29 = vector.broadcast %max3A : f32 to vector<2000x256xf32>
    %max3A_30 = arith.maximumf %add3A_28, %max3A_29 : vector<2000x256xf32>
    %get3A_31 = arith.constant 0 : index
    %get3A_32 = arith.constant 0 : index
    %get3A_33 = vector.load %arg5[%get3A_31, %get3A_32] : memref<256x256xf32, #tpu.memory_space<vmem>>, vector<256x256xf32>
    %dot_general3A_34 = arith.constant dense<0.000000e+00> : vector<2000x256xf32>
    %dot_general3A_35 = tpu.matmul %max3A_30, %get3A_33, %dot_general3A_34 {dimension_numbers = #tpu.dot_dimension_numbers<[1], [0], [0], [1], [0, 0, 1, 1], [], []>, transpose_lhs_hint = false} : vector<2000x256xf32>, vector<256x256xf32>, vector<2000x256xf32> -> vector<2000x256xf32>
    %get3A_36 = arith.constant 0 : index
    %get3A_37 = arith.constant 0 : index
    %get3A_38 = vector.load %arg6[%get3A_36, %get3A_37] : memref<1x256xf32, #tpu.memory_space<vmem>>, vector<1x256xf32>
    %add3A_39 = vector.broadcast %get3A_38 : vector<1x256xf32> to vector<2000x256xf32>
    %add3A_40 = arith.addf %dot_general3A_35, %add3A_39 : vector<2000x256xf32>
    %max3A_41 = arith.constant 0.000000e+00 : f32
    %max3A_42 = vector.broadcast %max3A_41 : f32 to vector<2000x256xf32>
    %max3A_43 = arith.maximumf %add3A_40, %max3A_42 : vector<2000x256xf32>
    %slice3A = vector.extract_strided_slice %max3A_43 {offsets = [0, 0], sizes = [2000, 128], strides = [1, 1]} : vector<2000x256xf32> to vector<2000x128xf32>
    %swap3A = arith.constant 0 : index
    %swap3A_44 = arith.constant 0 : index
    %swap3A_45 = arith.constant 0 : index
    %swap3A_46 = vector.load %arg7[%swap3A, %swap3A_44, %swap3A_45] : memref<2x2000x128xf32, #tpu.memory_space<vmem>>, vector<1x2000x128xf32>
    %swap3A_47 = vector.shape_cast %swap3A_46 : vector<1x2000x128xf32> to vector<2000x128xf32>
    %swap3A_48 = vector.shape_cast %slice3A : vector<2000x128xf32> to vector<1x2000x128xf32>
    tpu.vector_store %arg7[%swap3A, %swap3A_44, %swap3A_45], %swap3A_48 {strides = array<i32>} : memref<2x2000x128xf32, #tpu.memory_space<vmem>>, vector<1x2000x128xf32>,
    %slice3A_49 = vector.extract_strided_slice %max3A_43 {offsets = [0, 128], sizes = [2000, 128], strides = [1, 1]} : vector<2000x256xf32> to vector<2000x128xf32>
    %swap3A_50 = arith.constant 1 : index
    %swap3A_51 = arith.constant 0 : index
    %swap3A_52 = arith.constant 0 : index
    %swap3A_53 = vector.load %arg7[%swap3A_50, %swap3A_51, %swap3A_52] : memref<2x2000x128xf32, #tpu.memory_space<vmem>>, vector<1x2000x128xf32>
    %swap3A_54 = vector.shape_cast %swap3A_53 : vector<1x2000x128xf32> to vector<2000x128xf32>
    %swap3A_55 = vector.shape_cast %slice3A_49 : vector<2000x128xf32> to vector<1x2000x128xf32>
    tpu.vector_store %arg7[%swap3A_50, %swap3A_51, %swap3A_52], %swap3A_55 {strides = array<i32>} : memref<2x2000x128xf32, #tpu.memory_space<vmem>>, vector<1x2000x128xf32>,
    return
  }
  func.func @transform_0(%arg0: i32) -> (i32, i32, i32) {
    %c0_i32 = arith.constant 0 : i32
    %c0_i32_0 = arith.constant 0 : i32
    %c0_i32_1 = arith.constant 0 : i32
    return %c0_i32, %arg0, %c0_i32_0 : i32, i32, i32
  }
  func.func @transform_1(%arg0: i32) -> (i32, i32, i32) {
    %c0_i32 = arith.constant 0 : i32
    %c0_i32_0 = arith.constant 0 : i32
    %c0_i32_1 = arith.constant 0 : i32
    return %c0_i32, %arg0, %c0_i32_0 : i32, i32, i32
  }
  func.func @transform_2(%arg0: i32) -> (i32, i32) {
    %c0_i32 = arith.constant 0 : i32
    %c0_i32_0 = arith.constant 0 : i32
    %c0_i32_1 = arith.constant 0 : i32
    return %c0_i32, %c0_i32_0 : i32, i32
  }
  func.func @transform_3(%arg0: i32) -> (i32, i32) {
    %c0_i32 = arith.constant 0 : i32
    %c0_i32_0 = arith.constant 0 : i32
    %c0_i32_1 = arith.constant 0 : i32
    return %c0_i32, %c0_i32_0 : i32, i32
  }
  func.func @transform_4(%arg0: i32) -> (i32, i32) {
    %c0_i32 = arith.constant 0 : i32
    %c0_i32_0 = arith.constant 0 : i32
    %c0_i32_1 = arith.constant 0 : i32
    return %c0_i32, %c0_i32_0 : i32, i32
  }
  func.func @transform_5(%arg0: i32) -> (i32, i32) {
    %c0_i32 = arith.constant 0 : i32
    %c0_i32_0 = arith.constant 0 : i32
    %c0_i32_1 = arith.constant 0 : i32
    return %c0_i32, %c0_i32_0 : i32, i32
  }
  func.func @transform_6(%arg0: i32) -> (i32, i32, i32) {
    %c0_i32 = arith.constant 0 : i32
    %c0_i32_0 = arith.constant 0 : i32
    %c0_i32_1 = arith.constant 0 : i32
    return %c0_i32, %arg0, %c0_i32_0 : i32, i32, i32
  }
}

module attributes {stable_mosaic.version = 14 : i64} {
  func.func @_head_body(%arg0: i32, %arg1: memref<2x2000x128xf32, #tpu.memory_space<vmem>>, %arg2: memref<256x256xf32, #tpu.memory_space<vmem>>, %arg3: memref<1x256xf32, #tpu.memory_space<vmem>>, %arg4: memref<256x256xf32, #tpu.memory_space<vmem>>, %arg5: memref<1x256xf32, #tpu.memory_space<vmem>>, %arg6: memref<256x1xf32, #tpu.memory_space<vmem>>, %arg7: memref<1x1xf32, #tpu.memory_space<vmem>>, %arg8: memref<256x256xf32, #tpu.memory_space<vmem>>, %arg9: memref<1x256xf32, #tpu.memory_space<vmem>>, %arg10: memref<256x4xf32, #tpu.memory_space<vmem>>, %arg11: memref<1x4xf32, #tpu.memory_space<vmem>>, %arg12: memref<1x4xf32, #tpu.memory_space<vmem>>, %arg13: memref<1x4xf32, #tpu.memory_space<vmem>>, %arg14: memref<1x1xi32, #tpu.memory_space<vmem>>, %arg15: memref<1xf32, #tpu.memory_space<smem>>, %arg16: memref<1xf32, #tpu.memory_space<smem>>, %arg17: memref<1x256xf32, #tpu.memory_space<vmem>>) attributes {dimension_semantics = [#tpu.dimension_semantics<arbitrary>], iteration_bounds = array<i64: 5>, scalar_prefetch = 0 : i64, scratch_operands = 3 : i64, tpu.core_type = #tpu.core_type<tc>, window_params = [{transform_indices = @transform_0, window_bounds = array<i64: 2, 2000, 128>}, {pipeline_mode = #tpu.pipeline_mode<synchronous>, transform_indices = @transform_1, window_bounds = array<i64: 256, 256>}, {pipeline_mode = #tpu.pipeline_mode<synchronous>, transform_indices = @transform_2, window_bounds = array<i64: 1, 256>}, {pipeline_mode = #tpu.pipeline_mode<synchronous>, transform_indices = @transform_3, window_bounds = array<i64: 256, 256>}, {pipeline_mode = #tpu.pipeline_mode<synchronous>, transform_indices = @transform_4, window_bounds = array<i64: 1, 256>}, {pipeline_mode = #tpu.pipeline_mode<synchronous>, transform_indices = @transform_5, window_bounds = array<i64: 256, 1>}, {pipeline_mode = #tpu.pipeline_mode<synchronous>, transform_indices = @transform_6, window_bounds = array<i64: 1, 1>}, {pipeline_mode = #tpu.pipeline_mode<synchronous>, transform_indices = @transform_7, window_bounds = array<i64: 256, 256>}, {pipeline_mode = #tpu.pipeline_mode<synchronous>, transform_indices = @transform_8, window_bounds = array<i64: 1, 256>}, {pipeline_mode = #tpu.pipeline_mode<synchronous>, transform_indices = @transform_9, window_bounds = array<i64: 256, 4>}, {pipeline_mode = #tpu.pipeline_mode<synchronous>, transform_indices = @transform_10, window_bounds = array<i64: 1, 4>}, {pipeline_mode = #tpu.pipeline_mode<synchronous>, transform_indices = @transform_11, window_bounds = array<i64: 1, 4>}, {pipeline_mode = #tpu.pipeline_mode<synchronous>, transform_indices = @transform_12, window_bounds = array<i64: 1, 4>}, {pipeline_mode = #tpu.pipeline_mode<synchronous>, transform_indices = @transform_13, window_bounds = array<i64: 1, 1>}]} {
    %eq3A = arith.constant 0 : i32
    %eq3A_0 = arith.cmpi eq, %arg0, %eq3A : i32
    %convert_element_type3A = arith.extui %eq3A_0 : i1 to i32
    %cond3A = arith.constant 0 : i32
    %cond3A_1 = arith.cmpi ne, %convert_element_type3A, %cond3A : i32
    scf.if %cond3A_1 {
      %swap3A_80 = arith.constant 0xFF800000 : f32
      %swap3A_81 = arith.constant 0 : index
      %swap3A_82 = memref.load %arg15[%swap3A_81] : memref<1xf32, #tpu.memory_space<smem>>
      memref.store %swap3A_80, %arg15[%swap3A_81] : memref<1xf32, #tpu.memory_space<smem>>
      %swap3A_83 = arith.constant 0.000000e+00 : f32
      %swap3A_84 = arith.constant 0 : index
      %swap3A_85 = memref.load %arg16[%swap3A_84] : memref<1xf32, #tpu.memory_space<smem>>
      memref.store %swap3A_83, %arg16[%swap3A_84] : memref<1xf32, #tpu.memory_space<smem>>
      %broadcast_in_dim3A = arith.constant 0.000000e+00 : f32
      %broadcast_in_dim3A_86 = vector.broadcast %broadcast_in_dim3A : f32 to vector<1x256xf32>
      %swap3A_87 = arith.constant 0 : index
      %swap3A_88 = arith.constant 0 : index
      %swap3A_89 = vector.load %arg17[%swap3A_87, %swap3A_88] : memref<1x256xf32, #tpu.memory_space<vmem>>, vector<1x256xf32>
      tpu.vector_store %arg17[%swap3A_87, %swap3A_88], %broadcast_in_dim3A_86 {strides = array<i32>} : memref<1x256xf32, #tpu.memory_space<vmem>>, vector<1x256xf32>,
    } else {
    }
    %get3A = arith.constant 0 : index
    %get3A_2 = arith.constant 0 : index
    %get3A_3 = arith.constant 0 : index
    %get3A_4 = vector.load %arg1[%get3A, %get3A_2, %get3A_3] : memref<2x2000x128xf32, #tpu.memory_space<vmem>>, vector<1x2000x128xf32>
    %get3A_5 = vector.shape_cast %get3A_4 : vector<1x2000x128xf32> to vector<2000x128xf32>
    %get3A_6 = arith.constant 1 : index
    %get3A_7 = arith.constant 0 : index
    %get3A_8 = arith.constant 0 : index
    %get3A_9 = vector.load %arg1[%get3A_6, %get3A_7, %get3A_8] : memref<2x2000x128xf32, #tpu.memory_space<vmem>>, vector<1x2000x128xf32>
    %get3A_10 = vector.shape_cast %get3A_9 : vector<1x2000x128xf32> to vector<2000x128xf32>
    %concatenate3A = tpu.concatenate %get3A_5, %get3A_10 in 1 : vector<2000x128xf32>, vector<2000x128xf32> -> vector<2000x256xf32>
    %get3A_11 = arith.constant 0 : index
    %get3A_12 = arith.constant 0 : index
    %get3A_13 = vector.load %arg2[%get3A_11, %get3A_12] : memref<256x256xf32, #tpu.memory_space<vmem>>, vector<256x256xf32>
    %dot_general3A = arith.constant dense<0.000000e+00> : vector<2000x256xf32>
    %dot_general3A_14 = tpu.matmul %concatenate3A, %get3A_13, %dot_general3A {dimension_numbers = #tpu.dot_dimension_numbers<[1], [0], [0], [1], [0, 0, 1, 1], [], []>, transpose_lhs_hint = false} : vector<2000x256xf32>, vector<256x256xf32>, vector<2000x256xf32> -> vector<2000x256xf32>
    %get3A_15 = arith.constant 0 : index
    %get3A_16 = arith.constant 0 : index
    %get3A_17 = vector.load %arg3[%get3A_15, %get3A_16] : memref<1x256xf32, #tpu.memory_space<vmem>>, vector<1x256xf32>
    %add3A = vector.broadcast %get3A_17 : vector<1x256xf32> to vector<2000x256xf32>
    %add3A_18 = arith.addf %dot_general3A_14, %add3A : vector<2000x256xf32>
    %tanh3A = math.tanh %add3A_18 : vector<2000x256xf32>
    %get3A_19 = arith.constant 0 : index
    %get3A_20 = arith.constant 0 : index
    %get3A_21 = vector.load %arg4[%get3A_19, %get3A_20] : memref<256x256xf32, #tpu.memory_space<vmem>>, vector<256x256xf32>
    %dot_general3A_22 = arith.constant dense<0.000000e+00> : vector<2000x256xf32>
    %dot_general3A_23 = tpu.matmul %concatenate3A, %get3A_21, %dot_general3A_22 {dimension_numbers = #tpu.dot_dimension_numbers<[1], [0], [0], [1], [0, 0, 1, 1], [], []>, transpose_lhs_hint = false} : vector<2000x256xf32>, vector<256x256xf32>, vector<2000x256xf32> -> vector<2000x256xf32>
    %get3A_24 = arith.constant 0 : index
    %get3A_25 = arith.constant 0 : index
    %get3A_26 = vector.load %arg5[%get3A_24, %get3A_25] : memref<1x256xf32, #tpu.memory_space<vmem>>, vector<1x256xf32>
    %add3A_27 = vector.broadcast %get3A_26 : vector<1x256xf32> to vector<2000x256xf32>
    %add3A_28 = arith.addf %dot_general3A_23, %add3A_27 : vector<2000x256xf32>
    %logistic3A = arith.negf %add3A_28 : vector<2000x256xf32>
    %logistic3A_29 = math.exp %logistic3A : vector<2000x256xf32>
    %logistic3A_30 = arith.constant 1.000000e+00 : f32
    %logistic3A_31 = vector.broadcast %logistic3A_30 : f32 to vector<2000x256xf32>
    %logistic3A_32 = arith.addf %logistic3A_31, %logistic3A_29 : vector<2000x256xf32>
    %logistic3A_33 = arith.divf %logistic3A_31, %logistic3A_32 : vector<2000x256xf32>
    %mul3A = arith.mulf %tanh3A, %logistic3A_33 : vector<2000x256xf32>
    %get3A_34 = arith.constant 0 : index
    %get3A_35 = arith.constant 0 : index
    %get3A_36 = vector.load %arg6[%get3A_34, %get3A_35] : memref<256x1xf32, #tpu.memory_space<vmem>>, vector<256x1xf32>
    %dot_general3A_37 = arith.constant dense<0.000000e+00> : vector<2000x1xf32>
    %dot_general3A_38 = tpu.matmul %mul3A, %get3A_36, %dot_general3A_37 {dimension_numbers = #tpu.dot_dimension_numbers<[1], [0], [0], [1], [0, 0, 1, 1], [], []>, transpose_lhs_hint = false} : vector<2000x256xf32>, vector<256x1xf32>, vector<2000x1xf32> -> vector<2000x1xf32>
    %get3A_39 = arith.constant 0 : index
    %get3A_40 = arith.constant 0 : index
    %get3A_41 = vector.load %arg7[%get3A_39, %get3A_40] : memref<1x1xf32, #tpu.memory_space<vmem>>, vector<1x1xf32>
    %add3A_42 = vector.broadcast %get3A_41 : vector<1x1xf32> to vector<2000x1xf32>
    %add3A_43 = arith.addf %dot_general3A_38, %add3A_42 : vector<2000x1xf32>
    %get3A_44 = arith.constant 0 : index
    %get3A_45 = memref.load %arg15[%get3A_44] : memref<1xf32, #tpu.memory_space<smem>>
    %reduce_max3A = vector.shape_cast %add3A_43 : vector<2000x1xf32> to vector<1x2000x1xf32>
    %reduce_max3A_46 = arith.constant dense<0xFF800000> : vector<1xf32>
    %reduce_max3A_47 = vector.multi_reduction <maximumf>, %reduce_max3A, %reduce_max3A_46 [1, 2] : vector<1x2000x1xf32> to vector<1xf32>
    %reduce_max3A_48 = vector.shape_cast %reduce_max3A_47 : vector<1xf32> to vector<1x1x1xf32>
    %reduce_max3A_49 = vector.extract %reduce_max3A_48[0, 0, 0] : f32 from vector<1x1x1xf32>
    %max3A = arith.maximumf %get3A_45, %reduce_max3A_49 : f32
    %sub3A = vector.broadcast %max3A : f32 to vector<2000x1xf32>
    %sub3A_50 = arith.subf %add3A_43, %sub3A : vector<2000x1xf32>
    %exp3A = math.exp %sub3A_50 : vector<2000x1xf32>
    %sub3A_51 = arith.subf %get3A_45, %max3A : f32
    %exp3A_52 = math.exp %sub3A_51 : f32
    %swap3A = arith.constant 0 : index
    %swap3A_53 = memref.load %arg15[%swap3A] : memref<1xf32, #tpu.memory_space<smem>>
    memref.store %max3A, %arg15[%swap3A] : memref<1xf32, #tpu.memory_space<smem>>
    %get3A_54 = arith.constant 0 : index
    %get3A_55 = memref.load %arg16[%get3A_54] : memref<1xf32, #tpu.memory_space<smem>>
    %mul3A_56 = arith.mulf %get3A_55, %exp3A_52 : f32
    %reduce_sum3A = vector.shape_cast %exp3A : vector<2000x1xf32> to vector<1x2000x1xf32>
    %reduce_sum3A_57 = arith.constant dense<0.000000e+00> : vector<1xf32>
    %reduce_sum3A_58 = vector.multi_reduction <add>, %reduce_sum3A, %reduce_sum3A_57 [1, 2] : vector<1x2000x1xf32> to vector<1xf32>
    %reduce_sum3A_59 = vector.shape_cast %reduce_sum3A_58 : vector<1xf32> to vector<1x1x1xf32>
    %reduce_sum3A_60 = vector.extract %reduce_sum3A_59[0, 0, 0] : f32 from vector<1x1x1xf32>
    %add3A_61 = arith.addf %mul3A_56, %reduce_sum3A_60 : f32
    %swap3A_62 = arith.constant 0 : index
    %swap3A_63 = memref.load %arg16[%swap3A_62] : memref<1xf32, #tpu.memory_space<smem>>
    memref.store %add3A_61, %arg16[%swap3A_62] : memref<1xf32, #tpu.memory_space<smem>>
    %dot_general3A_64 = arith.constant dense<0.000000e+00> : vector<1x256xf32>
    %dot_general3A_65 = tpu.matmul %exp3A, %concatenate3A, %dot_general3A_64 {dimension_numbers = #tpu.dot_dimension_numbers<[0], [0], [1], [1], [0, 1, 1, 1], [], []>, transpose_lhs_hint = false} : vector<2000x1xf32>, vector<2000x256xf32>, vector<1x256xf32> -> vector<1x256xf32>
    %get3A_66 = arith.constant 0 : index
    %get3A_67 = arith.constant 0 : index
    %get3A_68 = vector.load %arg17[%get3A_66, %get3A_67] : memref<1x256xf32, #tpu.memory_space<vmem>>, vector<1x256xf32>
    %mul3A_69 = vector.broadcast %exp3A_52 : f32 to vector<1x256xf32>
    %mul3A_70 = arith.mulf %get3A_68, %mul3A_69 : vector<1x256xf32>
    %add3A_71 = arith.addf %mul3A_70, %dot_general3A_65 : vector<1x256xf32>
    %swap3A_72 = arith.constant 0 : index
    %swap3A_73 = arith.constant 0 : index
    %swap3A_74 = vector.load %arg17[%swap3A_72, %swap3A_73] : memref<1x256xf32, #tpu.memory_space<vmem>>, vector<1x256xf32>
    tpu.vector_store %arg17[%swap3A_72, %swap3A_73], %add3A_71 {strides = array<i32>} : memref<1x256xf32, #tpu.memory_space<vmem>>, vector<1x256xf32>,
    %eq3A_75 = arith.constant 4 : i32
    %eq3A_76 = arith.cmpi eq, %arg0, %eq3A_75 : i32
    %convert_element_type3A_77 = arith.extui %eq3A_76 : i1 to i32
    %cond3A_78 = arith.constant 0 : i32
    %cond3A_79 = arith.cmpi ne, %convert_element_type3A_77, %cond3A_78 : i32
    scf.if %cond3A_79 {
      %get3A_80 = arith.constant 0 : index
      %get3A_81 = arith.constant 0 : index
      %get3A_82 = vector.load %arg17[%get3A_80, %get3A_81] : memref<1x256xf32, #tpu.memory_space<vmem>>, vector<1x256xf32>
      %get3A_83 = arith.constant 0 : index
      %get3A_84 = memref.load %arg16[%get3A_83] : memref<1xf32, #tpu.memory_space<smem>>
      %div3A = vector.broadcast %get3A_84 : f32 to vector<1x256xf32>
      %div3A_85 = arith.divf %get3A_82, %div3A : vector<1x256xf32>
      %get3A_86 = arith.constant 0 : index
      %get3A_87 = arith.constant 0 : index
      %get3A_88 = vector.load %arg8[%get3A_86, %get3A_87] : memref<256x256xf32, #tpu.memory_space<vmem>>, vector<256x256xf32>
      %dot_general3A_89 = arith.constant dense<0.000000e+00> : vector<1x256xf32>
      %dot_general3A_90 = tpu.matmul %div3A_85, %get3A_88, %dot_general3A_89 {dimension_numbers = #tpu.dot_dimension_numbers<[1], [0], [0], [1], [0, 0, 1, 1], [], []>, transpose_lhs_hint = false} : vector<1x256xf32>, vector<256x256xf32>, vector<1x256xf32> -> vector<1x256xf32>
      %get3A_91 = arith.constant 0 : index
      %get3A_92 = arith.constant 0 : index
      %get3A_93 = vector.load %arg9[%get3A_91, %get3A_92] : memref<1x256xf32, #tpu.memory_space<vmem>>, vector<1x256xf32>
      %add3A_94 = arith.addf %dot_general3A_90, %get3A_93 : vector<1x256xf32>
      %max3A_95 = arith.constant 0.000000e+00 : f32
      %max3A_96 = vector.broadcast %max3A_95 : f32 to vector<1x256xf32>
      %max3A_97 = arith.maximumf %add3A_94, %max3A_96 : vector<1x256xf32>
      %get3A_98 = arith.constant 0 : index
      %get3A_99 = arith.constant 0 : index
      %get3A_100 = vector.load %arg10[%get3A_98, %get3A_99] : memref<256x4xf32, #tpu.memory_space<vmem>>, vector<256x4xf32>
      %dot_general3A_101 = arith.constant dense<0.000000e+00> : vector<1x4xf32>
      %dot_general3A_102 = tpu.matmul %max3A_97, %get3A_100, %dot_general3A_101 {dimension_numbers = #tpu.dot_dimension_numbers<[1], [0], [0], [1], [0, 0, 1, 1], [], []>, transpose_lhs_hint = false} : vector<1x256xf32>, vector<256x4xf32>, vector<1x4xf32> -> vector<1x4xf32>
      %get3A_103 = arith.constant 0 : index
      %get3A_104 = arith.constant 0 : index
      %get3A_105 = vector.load %arg11[%get3A_103, %get3A_104] : memref<1x4xf32, #tpu.memory_space<vmem>>, vector<1x4xf32>
      %add3A_106 = arith.addf %dot_general3A_102, %get3A_105 : vector<1x4xf32>
      %swap3A_107 = arith.constant 0 : index
      %swap3A_108 = arith.constant 0 : index
      %swap3A_109 = vector.load %arg12[%swap3A_107, %swap3A_108] : memref<1x4xf32, #tpu.memory_space<vmem>>, vector<1x4xf32>
      tpu.vector_store %arg12[%swap3A_107, %swap3A_108], %add3A_106 {strides = array<i32>} : memref<1x4xf32, #tpu.memory_space<vmem>>, vector<1x4xf32>,
      %logistic3A_110 = arith.negf %add3A_106 : vector<1x4xf32>
      %logistic3A_111 = math.exp %logistic3A_110 : vector<1x4xf32>
      %logistic3A_112 = arith.constant 1.000000e+00 : f32
      %logistic3A_113 = vector.broadcast %logistic3A_112 : f32 to vector<1x4xf32>
      %logistic3A_114 = arith.addf %logistic3A_113, %logistic3A_111 : vector<1x4xf32>
      %logistic3A_115 = arith.divf %logistic3A_113, %logistic3A_114 : vector<1x4xf32>
      %swap3A_116 = arith.constant 0 : index
      %swap3A_117 = arith.constant 0 : index
      %swap3A_118 = vector.load %arg13[%swap3A_116, %swap3A_117] : memref<1x4xf32, #tpu.memory_space<vmem>>, vector<1x4xf32>
      tpu.vector_store %arg13[%swap3A_116, %swap3A_117], %logistic3A_115 {strides = array<i32>} : memref<1x4xf32, #tpu.memory_space<vmem>>, vector<1x4xf32>,
      %reduce_max3A_119 = arith.constant dense<0xFF800000> : vector<1xf32>
      %reduce_max3A_120 = vector.multi_reduction <maximumf>, %add3A_106, %reduce_max3A_119 [1] : vector<1x4xf32> to vector<1xf32>
      %broadcast_in_dim3A = vector.shape_cast %reduce_max3A_120 : vector<1xf32> to vector<1x1xf32>
      %iota3A = tpu.iota {dimensions = array<i32: 1>} : vector<1x4xi32>
      %ge3A = vector.broadcast %broadcast_in_dim3A : vector<1x1xf32> to vector<1x4xf32>
      %ge3A_121 = arith.cmpf oge, %add3A_106, %ge3A : vector<1x4xf32>
      %jit3A = arith.constant 4 : i32
      %broadcast_in_dim3A_122 = vector.broadcast %jit3A : i32 to vector<1x4xi32>
      %select_n3A = arith.select %ge3A_121, %iota3A, %broadcast_in_dim3A_122 : vector<1x4xi1>, vector<1x4xi32>
      %reduce_min3A = arith.constant dense<2147483647> : vector<1xi32>
      %reduce_min3A_123 = vector.multi_reduction <minsi>, %select_n3A, %reduce_min3A [1] : vector<1x4xi32> to vector<1xi32>
      %broadcast_in_dim3A_124 = vector.shape_cast %reduce_min3A_123 : vector<1xi32> to vector<1x1xi32>
      %swap3A_125 = arith.constant 0 : index
      %swap3A_126 = arith.constant 0 : index
      %swap3A_127 = vector.load %arg14[%swap3A_125, %swap3A_126] : memref<1x1xi32, #tpu.memory_space<vmem>>, vector<1x1xi32>
      tpu.vector_store %arg14[%swap3A_125, %swap3A_126], %broadcast_in_dim3A_124 {strides = array<i32>} : memref<1x1xi32, #tpu.memory_space<vmem>>, vector<1x1xi32>,
    } else {
    }
    return
  }
  func.func @transform_0(%arg0: i32) -> (i32, i32, i32) {
    %c0_i32 = arith.constant 0 : i32
    %c0_i32_0 = arith.constant 0 : i32
    %c0_i32_1 = arith.constant 0 : i32
    return %c0_i32, %arg0, %c0_i32_0 : i32, i32, i32
  }
  func.func @transform_1(%arg0: i32) -> (i32, i32) {
    %c0_i32 = arith.constant 0 : i32
    %c0_i32_0 = arith.constant 0 : i32
    %c0_i32_1 = arith.constant 0 : i32
    return %c0_i32, %c0_i32_0 : i32, i32
  }
  func.func @transform_2(%arg0: i32) -> (i32, i32) {
    %c0_i32 = arith.constant 0 : i32
    %c0_i32_0 = arith.constant 0 : i32
    %c0_i32_1 = arith.constant 0 : i32
    return %c0_i32, %c0_i32_0 : i32, i32
  }
  func.func @transform_3(%arg0: i32) -> (i32, i32) {
    %c0_i32 = arith.constant 0 : i32
    %c0_i32_0 = arith.constant 0 : i32
    %c0_i32_1 = arith.constant 0 : i32
    return %c0_i32, %c0_i32_0 : i32, i32
  }
  func.func @transform_4(%arg0: i32) -> (i32, i32) {
    %c0_i32 = arith.constant 0 : i32
    %c0_i32_0 = arith.constant 0 : i32
    %c0_i32_1 = arith.constant 0 : i32
    return %c0_i32, %c0_i32_0 : i32, i32
  }
  func.func @transform_5(%arg0: i32) -> (i32, i32) {
    %c0_i32 = arith.constant 0 : i32
    %c0_i32_0 = arith.constant 0 : i32
    %c0_i32_1 = arith.constant 0 : i32
    return %c0_i32, %c0_i32_0 : i32, i32
  }
  func.func @transform_6(%arg0: i32) -> (i32, i32) {
    %c0_i32 = arith.constant 0 : i32
    %c0_i32_0 = arith.constant 0 : i32
    %c0_i32_1 = arith.constant 0 : i32
    return %c0_i32, %c0_i32_0 : i32, i32
  }
  func.func @transform_7(%arg0: i32) -> (i32, i32) {
    %c0_i32 = arith.constant 0 : i32
    %c0_i32_0 = arith.constant 0 : i32
    %c0_i32_1 = arith.constant 0 : i32
    return %c0_i32, %c0_i32_0 : i32, i32
  }
  func.func @transform_8(%arg0: i32) -> (i32, i32) {
    %c0_i32 = arith.constant 0 : i32
    %c0_i32_0 = arith.constant 0 : i32
    %c0_i32_1 = arith.constant 0 : i32
    return %c0_i32, %c0_i32_0 : i32, i32
  }
  func.func @transform_9(%arg0: i32) -> (i32, i32) {
    %c0_i32 = arith.constant 0 : i32
    %c0_i32_0 = arith.constant 0 : i32
    %c0_i32_1 = arith.constant 0 : i32
    return %c0_i32, %c0_i32_0 : i32, i32
  }
  func.func @transform_10(%arg0: i32) -> (i32, i32) {
    %c0_i32 = arith.constant 0 : i32
    %c0_i32_0 = arith.constant 0 : i32
    %c0_i32_1 = arith.constant 0 : i32
    return %c0_i32, %c0_i32_0 : i32, i32
  }
  func.func @transform_11(%arg0: i32) -> (i32, i32) {
    %c0_i32 = arith.constant 0 : i32
    %c0_i32_0 = arith.constant 0 : i32
    %c0_i32_1 = arith.constant 0 : i32
    return %c0_i32, %c0_i32_0 : i32, i32
  }
  func.func @transform_12(%arg0: i32) -> (i32, i32) {
    %c0_i32 = arith.constant 0 : i32
    %c0_i32_0 = arith.constant 0 : i32
    %c0_i32_1 = arith.constant 0 : i32
    return %c0_i32, %c0_i32_0 : i32, i32
  }
  func.func @transform_13(%arg0: i32) -> (i32, i32) {
    %c0_i32 = arith.constant 0 : i32
    %c0_i32_0 = arith.constant 0 : i32
    %c0_i32_1 = arith.constant 0 : i32
    return %c0_i32, %c0_i32_0 : i32, i32
  }
}

</mosaic_0001>

<sc_bundles>
// kernel: kernel.12.cloned.1.call-start
scs
__scs_entry_jumppad:
0x0: {  	(pc) =	sbr.rel $0x88, $3  }
0x1: {  	(tag) =	ssettag $0x0;
	lr =	simm.s32 $0x1  }
0x2: {  	[smem:$0x3F89] =	sst lr;
	_ =	strace $0xD0000000  }
0x3: {  	_ = 	snop  }
0x4: {  	_ = 	snop  }
0x5: {  	_ = 	snop  }
0x6: {  	_ = 	snop  }
0x7: {  	_ = 	snop  }
__scs_overlays_trampoline_lowered:
0x8: {  	[smem:$0x3F98] =	sst s0  }
0x9: {  	[smem:$0x3F99] =	sst s1  }
0xa: {  	[smem:$0x3F9A] =	sst s2  }
0xb: {  	[smem:$0x3F9B] =	sst s3  }
0xc: {  	[smem:$0x3F9C] =	sst s4  }
0xd: {  	[smem:$0x3F9D] =	sst s5  }
0xe: {  	[smem:$0x3F9E] =	sst s6  }
0xf: {  	[smem:$0x3F9F] =	sst s7  }
0x10: {  	[smem:$0x3FA0] =	sst s8  }
0x11: {  	[smem:$0x3FA1] =	sst s9;
	s0 =	simm.s32 @!p0 $0x0  }
0x12: {  	s1 =	sld [smem:$0x3F87];
	s0 =	simm.s32 @p0 $0x1  }
0x13: {  	[smem:$0x3FA2] =	sst s0;
	s0 =	simm.s32 @!p1 $0x0  }
0x14: {  	s2 =	sld [smem:$0x3F86];
	s0 =	simm.s32 @p1 $0x1  }
0x15: {  	[smem:$0x3FA3] =	sst s0;
	s0 =	simm.s32 @!p2 $0x0  }
0x16: {  	s3 =	sld [smem:$0x3FDB];
	s0 =	simm.s32 @p2 $0x1  }
0x17: {  	s4 =	simm.s32 $0x1BF5;
	[smem:$0x3FA5] =	sst s0  }
0x18: {  	s0 =	sld [smem:$0x3F88];
	_ =	swait.ge [sflag:s4], $0x0  }
0x19: {  	s7 =	sld [smem:$0x3F89]  }
0x1a: {  	s8 =	sadd.s32 $0xFFFFE003, lr  }
0x1b: {  	s9 =	sadd.s32 $0xFFFFFEF7, lr;
	s5 =	simm.s32 $0xFFFFFFFF;
	p2 =	slt.u32 s8, $0xFFFFF086  }
0x1c: {  	p1 =	slt.u32 s9, $0xF7A;
	s5 =	simm.s32 @!p2 $0x0  }
0x1d: {  	s5 =	simm.s32 @p1 $0x1;
	p0 =	seq.s32 s7, s2  }
0x1e: {  	s7 =	smul.u32 @!p0 $0xF7A, s2;
	p2 =	seq.s32 @!p0 s5, $0x0  }
0x1f: {  	s9 =	smul.u32 $0xF7A, s1;
	s8 =	simm.s32 @!p0 $0x1BF5;
	p2 =	por !p2, p0  }
0x20: {  	[sflag:s8] =	ssyncset.s32 @!p0 $0xFFFFF086;
	s6 =	sadd.s32 @!p0 s3, s7;
	s7 =	simm.s32 @!p0 $0x108  }
0x21: {  	s3 =	sadd.s32 s3, s9;
	s6 =	sadd.s32 @!p0 $0x88, s6;
	s7 =	simm.s32 @p2 $0x1082  }
0x22: {  	[simem:s7], [sflag:s8] =	dma.local @!p0 [hbm:s6], $0xF7A  }
0x23: {  	s9 =	sor.u32 $0xD0000000, s2;
	s6 =	simm.s32 $0x108;
	_ =	swait.ge @!p0 [sflag:s8], $0x0  }
0x24: {  	s3 =	sadd.s32 $0x88, s3;
	s6 =	simm.s32 @!p1 $0x1082;
	[sflag:s4] =	ssyncset.s32 $0xFFFFF086  }
0x25: {  	[simem:s6], [sflag:s4] =	dma.local [hbm:s3], $0xF7A  }
0x26: {  	[smem:$0x3F89] =	sst s1;
	(tag) =	ssettag s2;
	_ =	strace s9  }
0x27: {  	s1 =	sld [smem:$0x3F99]  }
0x28: {  	s2 =	sld [smem:$0x3F9A]  }
0x29: {  	s4 =	sld [smem:$0x3F9C]  }
0x2a: {  	p0 =	seq.s32 s5, $0x0;
	s5 =	sld [smem:$0x3F9D]  }
0x2b: {  	s6 =	sld [smem:$0x3F9E]  }
0x2c: {  	s7 =	sld [smem:$0x3F9F]  }
0x2d: {  	s3 =	simm.s32 $0x108;
	s8 =	sld [smem:$0x3FA0]  }
0x2e: {  	s3 =	simm.s32 @!p0 $0x1082;
	s9 =	sld [smem:$0x3FA1]  }
0x2f: {  	lr =	sadd.s32 s0, s3;
	s0 =	sld [smem:$0x3F98]  }
0x30: {  	s3 =	sld [smem:$0x3F9B]  }
0x31: {  	[smem:$0x3FA4] =	sst s10  }
0x32: {  	s10 =	sld [smem:$0x3FA2];
	_ =	sdelay $0x3  }
0x33: {  	p0 =	seq.s32 s10, $0x1;
	s10 =	sld [smem:$0x3FA4];
	_ =	sdelay $0x3  }
0x34: {  	[smem:$0x3FA4] =	sst s10  }
0x35: {  	s10 =	sld [smem:$0x3FA3];
	_ =	sdelay $0x3  }
0x36: {  	p1 =	seq.s32 s10, $0x1;
	s10 =	sld [smem:$0x3FA4];
	_ =	sdelay $0x3  }
0x37: {  	[smem:$0x3FA4] =	sst s10  }
0x38: {  	s10 =	sld [smem:$0x3FA5]  }
0x39: {  	_ = 	snop;
	(pc) =	sbr.ind lr, $3  }
0x3a: {  	_ = 	snop  }
0x3b: {  	_ = 	snop  }
0x3c: {  	p2 =	seq.s32 s10, $0x1;
	s10 =	sld [smem:$0x3FA4]  }
0x3d: {  	_ =	shalt  }
0x3e: {  	_ =	shalt  }
0x3f: {  	_ =	shalt  }
0x40: {  	_ =	shalt  }
0x41: {  	_ =	shalt  }
0x42: {  	_ =	shalt  }
0x43: {  	_ =	shalt  }
0x44: {  	_ =	shalt  }
0x45: {  	_ =	shalt  }
0x46: {  	_ =	shalt  }
0x47: {  	_ =	shalt  }
0x48: {  	_ =	shalt  }
0x49: {  	_ =	shalt  }
0x4a: {  	_ =	shalt  }
0x4b: {  	_ =	shalt  }
0x4c: {  	_ =	shalt  }
0x4d: {  	_ =	shalt  }
0x4e: {  	_ =	shalt  }
0x4f: {  	_ =	shalt  }
0x50: {  	_ =	shalt  }
0x51: {  	_ =	shalt  }
0x52: {  	_ =	shalt  }
0x53: {  	_ =	shalt  }
0x54: {  	_ =	shalt  }
0x55: {  	_ =	shalt  }
0x56: {  	_ =	shalt  }
0x57: {  	_ =	shalt  }
0x58: {  	_ =	shalt  }
0x59: {  	_ =	shalt  }
0x5a: {  	_ =	shalt  }
0x5b: {  	_ =	shalt  }
0x5c: {  	_ =	shalt  }
0x5d: {  	_ =	shalt  }
0x5e: {  	_ =	shalt  }
0x5f: {  	_ =	shalt  }
0x60: {  	_ =	shalt  }
0x61: {  	_ =	shalt  }
0x62: {  	_ =	shalt  }
0x63: {  	_ =	shalt  }
0x64: {  	_ =	shalt  }
0x65: {  	_ =	shalt  }
0x66: {  	_ =	shalt  }
0x67: {  	_ =	shalt  }
0x68: {  	_ =	shalt  }
0x69: {  	_ =	shalt  }
0x6a: {  	_ =	shalt  }
0x6b: {  	_ =	shalt  }
0x6c: {  	_ =	shalt  }
0x6d: {  	_ =	shalt  }
0x6e: {  	_ =	shalt  }
0x6f: {  	_ =	shalt  }
0x70: {  	_ =	shalt  }
0x71: {  	_ =	shalt  }
0x72: {  	_ =	shalt  }
0x73: {  	_ =	shalt  }
0x74: {  	_ =	shalt  }
0x75: {  	_ =	shalt  }
0x76: {  	_ =	shalt  }
0x77: {  	_ =	shalt  }
0x78: {  	_ =	shalt  }
0x79: {  	_ =	shalt  }
0x7a: {  	_ =	shalt  }
0x7b: {  	_ =	shalt  }
0x7c: {  	_ =	shalt  }
0x7d: {  	_ =	shalt  }
0x7e: {  	_ =	shalt  }
0x7f: {  	_ =	shalt  }
0x80: {  	_ =	shalt  }
0x81: {  	_ =	shalt  }
0x82: {  	_ =	shalt  }
0x83: {  	_ =	shalt  }
0x84: {  	_ =	shalt  }
0x85: {  	_ =	shalt  }
0x86: {  	_ =	shalt  }
0x87: {  	_ =	shalt  }
.Lfunc_end0:
.L_simem_size_0:
called_computation.1_lowered:
.L_overlay_start_0:
0x88: {  	s2 =	sld [smem:$0x3FD9]  }
0x89: {  	s3 =	sld [smem:$0x3FFE];
	_ =	sdelay $0x1  }
0x8a: {  	s1 =	srdreg.scid  }
0x8b: {  	s0 =	sand.u32 $0x1, s1  }
0x8c: {  	s16 =	sshll.u32 s0, $0xA;
	s2 =	sadd.s32 s3, s2  }
0x8d: {  	s2 =	sadd.s32 s2, s16  }
0x8e: {  	[smem:$0x3FB0] =	sst s2  }
0x8f: {  	_ = 	snop  }
0x90: {  	(tm) =	ssettm $0x1  }
0x91: {  	s17 =	sld [smem:$0x3FFB];
	_ =	sdelay $0x3  }
0x92: {  	_ =	strace s17  }
0x93: {  	s2 =	sld [smem:$0x3FFC];
	_ =	sdelay $0x3  }
0x94: {  	_ =	strace s2  }
0x95: {  	s2 =	sld [smem:$0x3FFD];
	_ =	sdelay $0x3  }
0x96: {  	_ =	strace s2  }
0x97: {  	_ =	strace $0x8FFFFFFF  }
0x98: {  	s18 =	sld [smem:$0x3FDB];
	_ =	sdelay $0x1  }
0x99: {  	s19 =	simm.s32 $_scs_section_size  }
0x9a: {  	s4 =	simm.s32 $_size__tile_overlayer_lowered;
	s5 =	simm.s32 $_tile_overlayer_lowered  }
0x9b: {  	s22 =	simm.s32 $0x1BFF;
	s21 =	sshll.u32 s5, $0x1;
	s2 =	sadd.s32 s19, s18  }
0x9c: {  	s6 =	simm.s32 $0x0;
	s20 =	sshll.u32 s4, $0x1;
	s4 =	sadd.s32 s21, s2  }
0x9d: {  	[timem:s6], [sflag:s22] =	dma.local [hbm:s4], s20  }
0x9e: {  	_ =	swait.ge [sflag:s22], s20  }
0x9f: {  	s3 =	ssub.s32 $0x0, s20;
	[sflag:s22] =	ssyncset.done $0x0  }
0xa0: {  	[sflag:s22] =	ssyncadd.s32 s3;
	_ =	sdelay $0x1  }
0xa1: {  	s23 =	simm.s32 $0x1B8B  }
0xa2: {  	_ =	swait.ge [sflag:s23], $0x1  }
0xa3: {  	[sflag:s23] =	ssyncset.done $0x0  }
0xa4: {  	s25 =	simm.s32 $0x1B8E;
	s24 =	sld [smem:$0x3FFE];
	[sflag:s23] =	ssyncadd.s32 $0xFFFFFFFF  }
0xa5: {  	s26 =	simm.s32 $execute0_lowered;
	[smem:$0x3FD2] =	sst s25  }
0xa6: {  	s4 =	sshll.u32 s26, $0x1;
	_ =	strace $0x80000049;
	[dreg:$0x1] =	wrdreg $0xFFFFFFFF  }
0xa7: {  	s28 =	simm.s32 $_size_execute0_lowered;
	s2 =	sadd.s32 s2, s4;
	[dreg:$0x0] =	wrdreg $0x0  }
0xa8: {  	s4 =	sshll.u32 s28, $0x1;
	[dreg:$0x2] =	wrdreg s2  }
0xa9: {  	[dreg:$0x3] =	wrdreg s4  }
0xaa: {  	[dreg:$0x4] =	wrdreg $0xC0  }
0xab: {  	_ =	task [dreg:s6], $0x5FFFF  }
0xac: {  	[dreg:$0x1] =	wrdreg $0xFFFFFFFF  }
0xad: {  	[dreg:$0x0] =	wrdreg $0x60  }
0xae: {  	[dreg:$0x2] =	wrdreg s24  }
0xaf: {  	[dreg:$0x3] =	wrdreg $0x90000  }
0xb0: {  	[dreg:$0x4] =	wrdreg $0x9  }
0xb1: {  	_ =	task.clear_ibuf [dreg:s6], $0x5FFFF;
	_ =	strace $0x90000049  }
0xb2: {  	s29 =	simm.s32 $0x9;
	_ =	strace $0x8000004B  }
0xb3: {  	_ =	swait.ge [sflag:s29], $0x1  }
0xb4: {  	[sflag:s29] =	ssyncadd.s32 $0xFFFFFFFF  }
0xb5: {  	_ =	strace $0x9000004B  }
0xb6: {  	_ =	sfence  }
0xb7: {  	s30 =	sld [smem:$0x0];
	_ =	sdelay $0x2  }
0xb8: {  	s31 =	sshll.u32 s1, $0xD;
	s1 =	sshrl.u32 s1, $0x2  }
0xb9: {  	s3 =	sand.u32 $0x4000, s31;
	s1 =	sadd.s32 s1, s30  }
0xba: {  	s0 =	sor.u32 s3, s0;
	s1 =	sshll.u32 s1, $0x11  }
0xbb: {  	s0 =	sor.u32 s1, s0  }
0xbc: {  	s0 =	sadd.s32 $0x8F2B, s0  }
0xbd: {  	[sflag:s0] =	ssyncadd.remote.s32 $0x1  }
0xbe: {  	_ =	sfence.sel $0xFFFF  }
0xbf: {  	[dreg:$0x0] =	wrdreg $0xFFFFFFFF;
	(pc) =	sbr.abs _section_cstart, $3  }
0xc0: {  	[dreg:$0x1] =	wrdreg $0xFFFFFFFF  }
0xc1: {  	_ =	task.clear_ibuf [dreg:s6], $0x2FFFF;
	_ =	strace $0x9FFFFFFF  }
0xc2: {  	(tm) =	ssettm $0x7FFFFFFF  }
0xc3: {  	_ =	shalt  }
tec
execute0_lowered:
.L_overlay_start_1:
0x0: {  	(tag) =	ssettag $0x1  }
0x1: {  	s1 =	srdreg.scid  }
0x2: {  	s0 =	stileid.u32;
	s6 =	rddreg [dreg:$0x0]  }
0x3: {  	s2 =	rddreg [dreg:$0x1];
	s3 =	simm.s32 $0x0;
	s7 =	smul.u32 $0x2800, s0  }
0x4: {  	s14 =	simm.s32 $0x80;
	s15 =	simm.s32 $0x5000;
	s10 =	smul.u32 $0x13C00, s0  }
0x5: {  	s16 =	simm.s32 $0x1;
	s5 =	sand.u32 $0x1, s1;
	s12 =	smul.u32 $0x4F000, s0  }
0x6: {  	s17 =	simm.s32 $0x0;
	s1 =	rddreg [dreg:$0x2];
	s4 =	smul.u32 $0x28000, s5  }
0x7: {  	[smem:$0x7FF] =	sst s3;
	s31 =	sshll.u32 s0, $0x6;
	s8 =	smul.u32 $0x13C000, s5  }
0x8: {  	_ =	strace $0x8000004A;
	s29 =	ssub.s32 $0x2, s5;
	s5 =	sadd.s32 $0x61E00, s6  }
0x9: {  	s11 =	sshrl.u32 s29, $0x1;
	s30 =	sshrl.u32 s12, $0x2;
	s12 =	sor.u32 $0x1C02, s31  }
0xa: {  	s4 =	sadd.s32 s7, s4;
	s7 =	sshrl.u32 s7, $0x3;
	s8 =	sadd.s32 s10, s8  }
0xb: {  	s10 =	ssub.s32 s29, s11;
	s13 =	sadd.s32 s30, s2;
	s11 =	simm.s32 $0x2800  }
0xc: {  	s9 =	sshrl.u32 s4, $0x3;
	s4 =	sadd.s32 $0x12E00, s6;
	s7 =	sadd.s32 s7, s6  }
0xd: {  	s8 =	sshrl.u32 s8, $0x3;
	s13 =	sshrl.u32 s13, $0x3;
	s9 =	sadd.s32 s9, s6  }
0xe: {  	s8 =	sadd.s32 s8, s6;
	s7 =	sadd.s32 $0x3E00, s7;
	s6 =	sadd.s32 $0x8E00, s9  }
0xf: {  	s8 =	sadd.s32 $0x64600, s8;
	s9 =	smax.u32 s10, $0x1;
	s10 =	simm.s32 $0x2  }
.LBB2_1:
0x10: {  	[tilespmem:s3], [sflag:$0x2] =	stream.linear.gather [hbm4b:s6+s3], $0x2780, $0x38;
	[tilespmem:$0x1CC00] =	vst v63  }
0x11: {  	_ =	swait.ge [sflag:s10], $0x2780  }
0x12: {  	[sflag:s10] =	ssyncset.done $0x0  }
0x13: {  	[sflag:s10] =	ssyncadd.s32 $0xFFFFD880  }
0x14: {  	[tilespmem:s11], [sflag:$0x2] =	stream.linear.gather [hbm4b:s7+s3], $0x2780, $0x38;
	[tilespmem:$0x1CC00] =	vst v63  }
0x15: {  	_ =	swait.ge [sflag:s10], $0x2780  }
0x16: {  	[sflag:s10] =	ssyncset.done $0x0  }
0x17: {  	[sflag:s10] =	ssyncadd.s32 $0xFFFFD880  }
0x18: {  	[spmem:s13], [sflag:s12] =	dma.local [hbm:s5], $0x2780  }
0x19: {  	_ =	swait.ge [sflag:s10], $0x2780  }
0x1a: {  	[sflag:s10] =	ssyncset.done $0x0  }
0x1b: {  	[sflag:s10] =	ssyncadd.s32 $0xFFFFD880  }
0x1c: {  	s18 =	simm.s32 $0x0;
	[bflag:$0x0] =	sbarrier.arrive $0xFFFF  }
0x1d: {  	[tilespmem:s15], [sflag:$0x1] =	stream.indirect.gather [hbm4b:s4+s14], $0x80, s18, s14, $0xb8;
	[tilespmem:$0x1CC00] =	vst v63  }
0x1e: {  	_ =	swait.ge [sflag:s16], $0x4000  }
0x1f: {  	[sflag:s16] =	ssyncset.done $0x0  }
0x20: {  	s31 =	simm.s32 $0x2800;
	[sflag:s16] =	ssyncadd.s32 $0xFFFFC000  }
0x21: {  	[spmem:s2] =	stream.indirect.scatter.add.f32 [tilespmem:s15], [sflag:$0x2], $0x80, s31, s14, $0xb8;
	[tilespmem:$0x1CC00] =	vst v63  }
0x22: {  	_ =	swait.ge [sflag:s10], $0x4000  }
0x23: {  	s19 =	simm.s32 $0x400;
	s18 =	simm.s32 $0x200;
	[sflag:s10] =	ssyncset.done $0x0  }
.LBB2_2:
0x24: {  	s20 =	sshra.s32 s18, $0x2  }
0x25: {  	[sflag:s10] =	ssyncadd.s32 $0xFFFFC000;
	s18 =	smov.u32 s19;
	s21 =	sadd.s32 $0x200, s19  }
0x26: {  	[tilespmem:s15], [sflag:$0x1] =	stream.indirect.gather [hbm4b:s4+s14], $0x80, s20, s14, $0xb8;
	[tilespmem:$0x1CC00] =	vst v63  }
0x27: {  	p0 =	sne.s32 s19, $0x9C00;
	_ =	swait.ge [sflag:s16], $0x4000  }
.Ltmp0:
0x28: {  	[sflag:s16] =	ssyncset.done $0x0;
	(pc) =	sbr.rel @p0 .LBB2_2-.Ltmp0, $4  }
0x29: {  	s19 =	sadd.s32 $0x2800, s20;
	[sflag:s16] =	ssyncadd.s32 $0xFFFFC000  }
0x2a: {  	[spmem:s2] =	stream.indirect.scatter.add.f32 [tilespmem:s15], [sflag:$0x2], $0x80, s19, s14, $0xb8;
	[tilespmem:$0x1CC00] =	vst v63  }
0x2b: {  	_ =	swait.ge [sflag:s10], $0x4000  }
0x2c: {  	s19 =	smov.u32 s21;
	[sflag:s10] =	ssyncset.done $0x0  }
0x2d: {  	s18 =	sshra.s32 s18, $0x2;
	[sflag:s10] =	ssyncadd.s32 $0xFFFFC000  }
0x2e: {  	[tilespmem:s15], [sflag:$0x1] =	stream.indirect.gather [hbm4b:s4+s14], $0x80, s18, s14, $0xb8;
	[tilespmem:$0x1CC00] =	vst v63  }
0x2f: {  	_ =	swait.ge [sflag:s16], $0x4000  }
0x30: {  	[sflag:s16] =	ssyncset.done $0x0  }
0x31: {  	s18 =	sadd.s32 $0x2800, s18;
	[sflag:s16] =	ssyncadd.s32 $0xFFFFC000  }
0x32: {  	[spmem:s2] =	stream.indirect.scatter.add.f32 [tilespmem:s15], [sflag:$0x2], $0x80, s18, s14, $0xb8;
	[tilespmem:$0x1CC00] =	vst v63  }
0x33: {  	_ =	swait.ge [sflag:s10], $0x4000  }
0x34: {  	s17 =	sadd.s32 $0x1, s17;
	[sflag:s10] =	ssyncset.done $0x0  }
0x35: {  	p0 =	sne.s32 s17, s9;
	[sflag:s10] =	ssyncadd.s32 $0xFFFFC000  }
.Ltmp1:
0x36: {  	[bflag:$0x0] =	sbarrier.arrive $0xFFFF;
	(pc) =	sbr.rel @p0 .LBB2_1-.Ltmp1, $4  }
0x37: {  	[hbm:s8], [sflag:s12] =	dma.local [spmem:s13], $0x2780  }
0x38: {  	_ =	swait.ge [sflag:s10], $0x2780  }
0x39: {  	[sflag:s10] =	ssyncset.done $0x0  }
0x3a: {  	[sflag:s10] =	ssyncadd.s32 $0xFFFFD880  }
0x3b: {  	_ =	sfence.sel $0x180000  }
0x3c: {  	[bflag:$0x0] =	sbarrier.arrive $0xFFFF  }
0x3d: {  	p0 =	sne.s32 s0, $0x0;
	_ =	strace $0x9000004A  }
0x3e: {  	s0 =	sadd.s32 @!p0 $0x100000, s1;
	[bflag:$0x2] =	sbarrier.arrive $0xFFFF  }
0x3f: {  	[sflag:s0] =	ssyncadd.tile.s32 @!p0 $0x1;
	_ =	shalt  }
.Lfunc_end2:
_tile_overlayer_lowered:
.L_overlay_start_2:
0x40: {  	(tag) =	ssettag $0x2  }
0x41: {  	s0 =	rddreg [dreg:$0x0];
	s2 =	stileid.u32  }
0x42: {  	s1 =	rddreg [dreg:$0x1];
	p0 =	sne.s32 s2, $0x0  }
0x43: {  	s3 =	rddreg [dreg:$0x2];
	[bflag:$0x3] =	sbarrier.arrive $0xFFFF;
	s2 =	simm.s32 @!p0 $0x1C02  }
0x44: {  	[timem:s3], [sflag:s2] =	dma.local @!p0 [hbm:s0], s1  }
0x45: {  	s0 =	simm.s32 @!p0 $0x2  }
0x46: {  	_ =	swait.ge @!p0 [sflag:s0], s1  }
0x47: {  	s1 =	ssub.s32 @!p0 $0x0, s1;
	[sflag:s0] =	ssyncset.done @!p0 $0x0  }
0x48: {  	[sflag:s0] =	ssyncadd.s32 @!p0 s1  }
0x49: {  	[bflag:$0x3] =	sbarrier.arrive $0xFFFF  }
0x4a: {  	_ =	shalt  }

// kernel: kernel.15.cloned.1.call-start
scs
__scs_entry_jumppad:
0x0: {  	(pc) =	sbr.rel $0x88, $3  }
0x1: {  	(tag) =	ssettag $0x0;
	lr =	simm.s32 $0x1  }
0x2: {  	[smem:$0x3F89] =	sst lr;
	_ =	strace $0xD0000000  }
0x3: {  	_ = 	snop  }
0x4: {  	_ = 	snop  }
0x5: {  	_ = 	snop  }
0x6: {  	_ = 	snop  }
0x7: {  	_ = 	snop  }
__scs_overlays_trampoline_lowered:
0x8: {  	[smem:$0x3F98] =	sst s0  }
0x9: {  	[smem:$0x3F99] =	sst s1  }
0xa: {  	[smem:$0x3F9A] =	sst s2  }
0xb: {  	[smem:$0x3F9B] =	sst s3  }
0xc: {  	[smem:$0x3F9C] =	sst s4  }
0xd: {  	[smem:$0x3F9D] =	sst s5  }
0xe: {  	[smem:$0x3F9E] =	sst s6  }
0xf: {  	[smem:$0x3F9F] =	sst s7  }
0x10: {  	[smem:$0x3FA0] =	sst s8  }
0x11: {  	[smem:$0x3FA1] =	sst s9;
	s0 =	simm.s32 @!p0 $0x0  }
0x12: {  	s1 =	sld [smem:$0x3F87];
	s0 =	simm.s32 @p0 $0x1  }
0x13: {  	[smem:$0x3FA2] =	sst s0;
	s0 =	simm.s32 @!p1 $0x0  }
0x14: {  	s2 =	sld [smem:$0x3F86];
	s0 =	simm.s32 @p1 $0x1  }
0x15: {  	[smem:$0x3FA3] =	sst s0;
	s0 =	simm.s32 @!p2 $0x0  }
0x16: {  	s3 =	sld [smem:$0x3FDB];
	s0 =	simm.s32 @p2 $0x1  }
0x17: {  	s4 =	simm.s32 $0x1BF5;
	[smem:$0x3FA5] =	sst s0  }
0x18: {  	s0 =	sld [smem:$0x3F88];
	_ =	swait.ge [sflag:s4], $0x0  }
0x19: {  	s7 =	sld [smem:$0x3F89]  }
0x1a: {  	s8 =	sadd.s32 $0xFFFFE003, lr  }
0x1b: {  	s9 =	sadd.s32 $0xFFFFFEF7, lr;
	s5 =	simm.s32 $0xFFFFFFFF;
	p2 =	slt.u32 s8, $0xFFFFF086  }
0x1c: {  	p1 =	slt.u32 s9, $0xF7A;
	s5 =	simm.s32 @!p2 $0x0  }
0x1d: {  	s5 =	simm.s32 @p1 $0x1;
	p0 =	seq.s32 s7, s2  }
0x1e: {  	s7 =	smul.u32 @!p0 $0xF7A, s2;
	p2 =	seq.s32 @!p0 s5, $0x0  }
0x1f: {  	s9 =	smul.u32 $0xF7A, s1;
	s8 =	simm.s32 @!p0 $0x1BF5;
	p2 =	por !p2, p0  }
0x20: {  	[sflag:s8] =	ssyncset.s32 @!p0 $0xFFFFF086;
	s6 =	sadd.s32 @!p0 s3, s7;
	s7 =	simm.s32 @!p0 $0x108  }
0x21: {  	s3 =	sadd.s32 s3, s9;
	s6 =	sadd.s32 @!p0 $0x88, s6;
	s7 =	simm.s32 @p2 $0x1082  }
0x22: {  	[simem:s7], [sflag:s8] =	dma.local @!p0 [hbm:s6], $0xF7A  }
0x23: {  	s9 =	sor.u32 $0xD0000000, s2;
	s6 =	simm.s32 $0x108;
	_ =	swait.ge @!p0 [sflag:s8], $0x0  }
0x24: {  	s3 =	sadd.s32 $0x88, s3;
	s6 =	simm.s32 @!p1 $0x1082;
	[sflag:s4] =	ssyncset.s32 $0xFFFFF086  }
0x25: {  	[simem:s6], [sflag:s4] =	dma.local [hbm:s3], $0xF7A  }
0x26: {  	[smem:$0x3F89] =	sst s1;
	(tag) =	ssettag s2;
	_ =	strace s9  }
0x27: {  	s1 =	sld [smem:$0x3F99]  }
0x28: {  	s2 =	sld [smem:$0x3F9A]  }
0x29: {  	s4 =	sld [smem:$0x3F9C]  }
0x2a: {  	p0 =	seq.s32 s5, $0x0;
	s5 =	sld [smem:$0x3F9D]  }
0x2b: {  	s6 =	sld [smem:$0x3F9E]  }
0x2c: {  	s7 =	sld [smem:$0x3F9F]  }
0x2d: {  	s3 =	simm.s32 $0x108;
	s8 =	sld [smem:$0x3FA0]  }
0x2e: {  	s3 =	simm.s32 @!p0 $0x1082;
	s9 =	sld [smem:$0x3FA1]  }
0x2f: {  	lr =	sadd.s32 s0, s3;
	s0 =	sld [smem:$0x3F98]  }
0x30: {  	s3 =	sld [smem:$0x3F9B]  }
0x31: {  	[smem:$0x3FA4] =	sst s10  }
0x32: {  	s10 =	sld [smem:$0x3FA2];
	_ =	sdelay $0x3  }
0x33: {  	p0 =	seq.s32 s10, $0x1;
	s10 =	sld [smem:$0x3FA4];
	_ =	sdelay $0x3  }
0x34: {  	[smem:$0x3FA4] =	sst s10  }
0x35: {  	s10 =	sld [smem:$0x3FA3];
	_ =	sdelay $0x3  }
0x36: {  	p1 =	seq.s32 s10, $0x1;
	s10 =	sld [smem:$0x3FA4];
	_ =	sdelay $0x3  }
0x37: {  	[smem:$0x3FA4] =	sst s10  }
0x38: {  	s10 =	sld [smem:$0x3FA5]  }
0x39: {  	_ = 	snop;
	(pc) =	sbr.ind lr, $3  }
0x3a: {  	_ = 	snop  }
0x3b: {  	_ = 	snop  }
0x3c: {  	p2 =	seq.s32 s10, $0x1;
	s10 =	sld [smem:$0x3FA4]  }
0x3d: {  	_ =	shalt  }
0x3e: {  	_ =	shalt  }
0x3f: {  	_ =	shalt  }
0x40: {  	_ =	shalt  }
0x41: {  	_ =	shalt  }
0x42: {  	_ =	shalt  }
0x43: {  	_ =	shalt  }
0x44: {  	_ =	shalt  }
0x45: {  	_ =	shalt  }
0x46: {  	_ =	shalt  }
0x47: {  	_ =	shalt  }
0x48: {  	_ =	shalt  }
0x49: {  	_ =	shalt  }
0x4a: {  	_ =	shalt  }
0x4b: {  	_ =	shalt  }
0x4c: {  	_ =	shalt  }
0x4d: {  	_ =	shalt  }
0x4e: {  	_ =	shalt  }
0x4f: {  	_ =	shalt  }
0x50: {  	_ =	shalt  }
0x51: {  	_ =	shalt  }
0x52: {  	_ =	shalt  }
0x53: {  	_ =	shalt  }
0x54: {  	_ =	shalt  }
0x55: {  	_ =	shalt  }
0x56: {  	_ =	shalt  }
0x57: {  	_ =	shalt  }
0x58: {  	_ =	shalt  }
0x59: {  	_ =	shalt  }
0x5a: {  	_ =	shalt  }
0x5b: {  	_ =	shalt  }
0x5c: {  	_ =	shalt  }
0x5d: {  	_ =	shalt  }
0x5e: {  	_ =	shalt  }
0x5f: {  	_ =	shalt  }
0x60: {  	_ =	shalt  }
0x61: {  	_ =	shalt  }
0x62: {  	_ =	shalt  }
0x63: {  	_ =	shalt  }
0x64: {  	_ =	shalt  }
0x65: {  	_ =	shalt  }
0x66: {  	_ =	shalt  }
0x67: {  	_ =	shalt  }
0x68: {  	_ =	shalt  }
0x69: {  	_ =	shalt  }
0x6a: {  	_ =	shalt  }
0x6b: {  	_ =	shalt  }
0x6c: {  	_ =	shalt  }
0x6d: {  	_ =	shalt  }
0x6e: {  	_ =	shalt  }
0x6f: {  	_ =	shalt  }
0x70: {  	_ =	shalt  }
0x71: {  	_ =	shalt  }
0x72: {  	_ =	shalt  }
0x73: {  	_ =	shalt  }
0x74: {  	_ =	shalt  }
0x75: {  	_ =	shalt  }
0x76: {  	_ =	shalt  }
0x77: {  	_ =	shalt  }
0x78: {  	_ =	shalt  }
0x79: {  	_ =	shalt  }
0x7a: {  	_ =	shalt  }
0x7b: {  	_ =	shalt  }
0x7c: {  	_ =	shalt  }
0x7d: {  	_ =	shalt  }
0x7e: {  	_ =	shalt  }
0x7f: {  	_ =	shalt  }
0x80: {  	_ =	shalt  }
0x81: {  	_ =	shalt  }
0x82: {  	_ =	shalt  }
0x83: {  	_ =	shalt  }
0x84: {  	_ =	shalt  }
0x85: {  	_ =	shalt  }
0x86: {  	_ =	shalt  }
0x87: {  	_ =	shalt  }
.Lfunc_end0:
.L_simem_size_0:
called_computation.2_lowered:
.L_overlay_start_0:
0x88: {  	s2 =	sld [smem:$0x3FD9]  }
0x89: {  	s3 =	sld [smem:$0x3FFE];
	_ =	sdelay $0x1  }
0x8a: {  	s1 =	srdreg.scid  }
0x8b: {  	s0 =	sand.u32 $0x1, s1  }
0x8c: {  	s16 =	sshll.u32 s0, $0xA;
	s2 =	sadd.s32 s3, s2  }
0x8d: {  	s2 =	sadd.s32 s2, s16  }
0x8e: {  	[smem:$0x3FB0] =	sst s2  }
0x8f: {  	_ = 	snop  }
0x90: {  	(tm) =	ssettm $0x1  }
0x91: {  	s17 =	sld [smem:$0x3FFB];
	_ =	sdelay $0x3  }
0x92: {  	_ =	strace s17  }
0x93: {  	s2 =	sld [smem:$0x3FFC];
	_ =	sdelay $0x3  }
0x94: {  	_ =	strace s2  }
0x95: {  	s2 =	sld [smem:$0x3FFD];
	_ =	sdelay $0x3  }
0x96: {  	_ =	strace s2  }
0x97: {  	_ =	strace $0x8FFFFFFF  }
0x98: {  	s18 =	sld [smem:$0x3FDB];
	_ =	sdelay $0x1  }
0x99: {  	s19 =	simm.s32 $_scs_section_size  }
0x9a: {  	s4 =	simm.s32 $_size__tile_overlayer_lowered;
	s5 =	simm.s32 $_tile_overlayer_lowered  }
0x9b: {  	s22 =	simm.s32 $0x1BFF;
	s21 =	sshll.u32 s5, $0x1;
	s2 =	sadd.s32 s19, s18  }
0x9c: {  	s6 =	simm.s32 $0x0;
	s20 =	sshll.u32 s4, $0x1;
	s4 =	sadd.s32 s21, s2  }
0x9d: {  	[timem:s6], [sflag:s22] =	dma.local [hbm:s4], s20  }
0x9e: {  	_ =	swait.ge [sflag:s22], s20  }
0x9f: {  	s3 =	ssub.s32 $0x0, s20;
	[sflag:s22] =	ssyncset.done $0x0  }
0xa0: {  	[sflag:s22] =	ssyncadd.s32 s3;
	_ =	sdelay $0x1  }
0xa1: {  	s23 =	simm.s32 $0x1B8B  }
0xa2: {  	_ =	swait.ge [sflag:s23], $0x1  }
0xa3: {  	[sflag:s23] =	ssyncset.done $0x0  }
0xa4: {  	s25 =	simm.s32 $0x1B8E;
	s24 =	sld [smem:$0x3FFE];
	[sflag:s23] =	ssyncadd.s32 $0xFFFFFFFF  }
0xa5: {  	s26 =	simm.s32 $execute0_lowered;
	[smem:$0x3FD2] =	sst s25  }
0xa6: {  	s4 =	sshll.u32 s26, $0x1;
	_ =	strace $0x8000004C;
	[dreg:$0x1] =	wrdreg $0xFFFFFFFF  }
0xa7: {  	s28 =	simm.s32 $_size_execute0_lowered;
	s2 =	sadd.s32 s2, s4;
	[dreg:$0x0] =	wrdreg $0x0  }
0xa8: {  	s4 =	sshll.u32 s28, $0x1;
	[dreg:$0x2] =	wrdreg s2  }
0xa9: {  	[dreg:$0x3] =	wrdreg s4  }
0xaa: {  	[dreg:$0x4] =	wrdreg $0xC0  }
0xab: {  	_ =	task [dreg:s6], $0x5FFFF  }
0xac: {  	[dreg:$0x1] =	wrdreg $0xFFFFFFFF  }
0xad: {  	[dreg:$0x0] =	wrdreg $0x60  }
0xae: {  	[dreg:$0x2] =	wrdreg s24  }
0xaf: {  	[dreg:$0x3] =	wrdreg $0x90000  }
0xb0: {  	[dreg:$0x4] =	wrdreg $0x9  }
0xb1: {  	_ =	task.clear_ibuf [dreg:s6], $0x5FFFF;
	_ =	strace $0x9000004C  }
0xb2: {  	s29 =	simm.s32 $0x9;
	_ =	strace $0x8000004E  }
0xb3: {  	_ =	swait.ge [sflag:s29], $0x1  }
0xb4: {  	[sflag:s29] =	ssyncadd.s32 $0xFFFFFFFF  }
0xb5: {  	_ =	strace $0x9000004E  }
0xb6: {  	_ =	sfence  }
0xb7: {  	s30 =	sld [smem:$0x0];
	_ =	sdelay $0x2  }
0xb8: {  	s31 =	sshll.u32 s1, $0xD;
	s1 =	sshrl.u32 s1, $0x2  }
0xb9: {  	s3 =	sand.u32 $0x4000, s31;
	s1 =	sadd.s32 s1, s30  }
0xba: {  	s0 =	sor.u32 s3, s0;
	s1 =	sshll.u32 s1, $0x11  }
0xbb: {  	s0 =	sor.u32 s1, s0  }
0xbc: {  	s0 =	sadd.s32 $0x8F2B, s0  }
0xbd: {  	[sflag:s0] =	ssyncadd.remote.s32 $0x1  }
0xbe: {  	_ =	sfence.sel $0xFFFF  }
0xbf: {  	[dreg:$0x0] =	wrdreg $0xFFFFFFFF;
	(pc) =	sbr.abs _section_cstart, $3  }
0xc0: {  	[dreg:$0x1] =	wrdreg $0xFFFFFFFF  }
0xc1: {  	_ =	task.clear_ibuf [dreg:s6], $0x2FFFF;
	_ =	strace $0x9FFFFFFF  }
0xc2: {  	(tm) =	ssettm $0x7FFFFFFF  }
0xc3: {  	_ =	shalt  }
tec
execute0_lowered:
.L_overlay_start_1:
0x0: {  	(tag) =	ssettag $0x1  }
0x1: {  	s1 =	srdreg.scid  }
0x2: {  	s0 =	stileid.u32;
	s6 =	rddreg [dreg:$0x0]  }
0x3: {  	s2 =	rddreg [dreg:$0x1];
	s3 =	simm.s32 $0x0;
	s7 =	smul.u32 $0x2800, s0  }
0x4: {  	s14 =	simm.s32 $0x80;
	s15 =	simm.s32 $0x5000;
	s10 =	smul.u32 $0x13C00, s0  }
0x5: {  	s16 =	simm.s32 $0x1;
	s5 =	sand.u32 $0x1, s1;
	s12 =	smul.u32 $0x4F000, s0  }
0x6: {  	s17 =	simm.s32 $0x0;
	s1 =	rddreg [dreg:$0x2];
	s4 =	smul.u32 $0x28000, s5  }
0x7: {  	[smem:$0x7FF] =	sst s3;
	s31 =	sshll.u32 s0, $0x6;
	s8 =	smul.u32 $0x13C000, s5  }
0x8: {  	_ =	strace $0x8000004D;
	s29 =	ssub.s32 $0x2, s5;
	s5 =	sadd.s32 $0x61E00, s6  }
0x9: {  	s11 =	sshrl.u32 s29, $0x1;
	s30 =	sshrl.u32 s12, $0x2;
	s12 =	sor.u32 $0x1C02, s31  }
0xa: {  	s4 =	sadd.s32 s7, s4;
	s7 =	sshrl.u32 s7, $0x3;
	s8 =	sadd.s32 s10, s8  }
0xb: {  	s10 =	ssub.s32 s29, s11;
	s13 =	sadd.s32 s30, s2;
	s11 =	simm.s32 $0x2800  }
0xc: {  	s9 =	sshrl.u32 s4, $0x3;
	s4 =	sadd.s32 $0x12E00, s6;
	s7 =	sadd.s32 s7, s6  }
0xd: {  	s8 =	sshrl.u32 s8, $0x3;
	s13 =	sshrl.u32 s13, $0x3;
	s9 =	sadd.s32 s9, s6  }
0xe: {  	s8 =	sadd.s32 s8, s6;
	s7 =	sadd.s32 $0x3E00, s7;
	s6 =	sadd.s32 $0x8E00, s9  }
0xf: {  	s8 =	sadd.s32 $0x64600, s8;
	s9 =	smax.u32 s10, $0x1;
	s10 =	simm.s32 $0x2  }
.LBB2_1:
0x10: {  	[tilespmem:s3], [sflag:$0x2] =	stream.linear.gather [hbm4b:s6+s3], $0x2780, $0x38;
	[tilespmem:$0x1CC00] =	vst v63  }
0x11: {  	_ =	swait.ge [sflag:s10], $0x2780  }
0x12: {  	[sflag:s10] =	ssyncset.done $0x0  }
0x13: {  	[sflag:s10] =	ssyncadd.s32 $0xFFFFD880  }
0x14: {  	[tilespmem:s11], [sflag:$0x2] =	stream.linear.gather [hbm4b:s7+s3], $0x2780, $0x38;
	[tilespmem:$0x1CC00] =	vst v63  }
0x15: {  	_ =	swait.ge [sflag:s10], $0x2780  }
0x16: {  	[sflag:s10] =	ssyncset.done $0x0  }
0x17: {  	[sflag:s10] =	ssyncadd.s32 $0xFFFFD880  }
0x18: {  	[spmem:s13], [sflag:s12] =	dma.local [hbm:s5], $0x2780  }
0x19: {  	_ =	swait.ge [sflag:s10], $0x2780  }
0x1a: {  	[sflag:s10] =	ssyncset.done $0x0  }
0x1b: {  	[sflag:s10] =	ssyncadd.s32 $0xFFFFD880  }
0x1c: {  	s18 =	simm.s32 $0x0;
	[bflag:$0x0] =	sbarrier.arrive $0xFFFF  }
0x1d: {  	[tilespmem:s15], [sflag:$0x1] =	stream.indirect.gather [hbm4b:s4+s14], $0x80, s18, s14, $0xb8;
	[tilespmem:$0x1CC00] =	vst v63  }
0x1e: {  	_ =	swait.ge [sflag:s16], $0x4000  }
0x1f: {  	[sflag:s16] =	ssyncset.done $0x0  }
0x20: {  	s31 =	simm.s32 $0x2800;
	[sflag:s16] =	ssyncadd.s32 $0xFFFFC000  }
0x21: {  	[spmem:s2] =	stream.indirect.scatter.add.f32 [tilespmem:s15], [sflag:$0x2], $0x80, s31, s14, $0xb8;
	[tilespmem:$0x1CC00] =	vst v63  }
0x22: {  	_ =	swait.ge [sflag:s10], $0x4000  }
0x23: {  	s19 =	simm.s32 $0x400;
	s18 =	simm.s32 $0x200;
	[sflag:s10] =	ssyncset.done $0x0  }
.LBB2_2:
0x24: {  	s20 =	sshra.s32 s18, $0x2  }
0x25: {  	[sflag:s10] =	ssyncadd.s32 $0xFFFFC000;
	s18 =	smov.u32 s19;
	s21 =	sadd.s32 $0x200, s19  }
0x26: {  	[tilespmem:s15], [sflag:$0x1] =	stream.indirect.gather [hbm4b:s4+s14], $0x80, s20, s14, $0xb8;
	[tilespmem:$0x1CC00] =	vst v63  }
0x27: {  	p0 =	sne.s32 s19, $0x9C00;
	_ =	swait.ge [sflag:s16], $0x4000  }
.Ltmp0:
0x28: {  	[sflag:s16] =	ssyncset.done $0x0;
	(pc) =	sbr.rel @p0 .LBB2_2-.Ltmp0, $4  }
0x29: {  	s19 =	sadd.s32 $0x2800, s20;
	[sflag:s16] =	ssyncadd.s32 $0xFFFFC000  }
0x2a: {  	[spmem:s2] =	stream.indirect.scatter.add.f32 [tilespmem:s15], [sflag:$0x2], $0x80, s19, s14, $0xb8;
	[tilespmem:$0x1CC00] =	vst v63  }
0x2b: {  	_ =	swait.ge [sflag:s10], $0x4000  }
0x2c: {  	s19 =	smov.u32 s21;
	[sflag:s10] =	ssyncset.done $0x0  }
0x2d: {  	s18 =	sshra.s32 s18, $0x2;
	[sflag:s10] =	ssyncadd.s32 $0xFFFFC000  }
0x2e: {  	[tilespmem:s15], [sflag:$0x1] =	stream.indirect.gather [hbm4b:s4+s14], $0x80, s18, s14, $0xb8;
	[tilespmem:$0x1CC00] =	vst v63  }
0x2f: {  	_ =	swait.ge [sflag:s16], $0x4000  }
0x30: {  	[sflag:s16] =	ssyncset.done $0x0  }
0x31: {  	s18 =	sadd.s32 $0x2800, s18;
	[sflag:s16] =	ssyncadd.s32 $0xFFFFC000  }
0x32: {  	[spmem:s2] =	stream.indirect.scatter.add.f32 [tilespmem:s15], [sflag:$0x2], $0x80, s18, s14, $0xb8;
	[tilespmem:$0x1CC00] =	vst v63  }
0x33: {  	_ =	swait.ge [sflag:s10], $0x4000  }
0x34: {  	s17 =	sadd.s32 $0x1, s17;
	[sflag:s10] =	ssyncset.done $0x0  }
0x35: {  	p0 =	sne.s32 s17, s9;
	[sflag:s10] =	ssyncadd.s32 $0xFFFFC000  }
.Ltmp1:
0x36: {  	[bflag:$0x0] =	sbarrier.arrive $0xFFFF;
	(pc) =	sbr.rel @p0 .LBB2_1-.Ltmp1, $4  }
0x37: {  	[hbm:s8], [sflag:s12] =	dma.local [spmem:s13], $0x2780  }
0x38: {  	_ =	swait.ge [sflag:s10], $0x2780  }
0x39: {  	[sflag:s10] =	ssyncset.done $0x0  }
0x3a: {  	[sflag:s10] =	ssyncadd.s32 $0xFFFFD880  }
0x3b: {  	_ =	sfence.sel $0x180000  }
0x3c: {  	[bflag:$0x0] =	sbarrier.arrive $0xFFFF  }
0x3d: {  	p0 =	sne.s32 s0, $0x0;
	_ =	strace $0x9000004D  }
0x3e: {  	s0 =	sadd.s32 @!p0 $0x100000, s1;
	[bflag:$0x2] =	sbarrier.arrive $0xFFFF  }
0x3f: {  	[sflag:s0] =	ssyncadd.tile.s32 @!p0 $0x1;
	_ =	shalt  }
.Lfunc_end2:
_tile_overlayer_lowered:
.L_overlay_start_2:
0x40: {  	(tag) =	ssettag $0x2  }
0x41: {  	s0 =	rddreg [dreg:$0x0];
	s2 =	stileid.u32  }
0x42: {  	s1 =	rddreg [dreg:$0x1];
	p0 =	sne.s32 s2, $0x0  }
0x43: {  	s3 =	rddreg [dreg:$0x2];
	[bflag:$0x3] =	sbarrier.arrive $0xFFFF;
	s2 =	simm.s32 @!p0 $0x1C02  }
0x44: {  	[timem:s3], [sflag:s2] =	dma.local @!p0 [hbm:s0], s1  }
0x45: {  	s0 =	simm.s32 @!p0 $0x2  }
0x46: {  	_ =	swait.ge @!p0 [sflag:s0], s1  }
0x47: {  	s1 =	ssub.s32 @!p0 $0x0, s1;
	[sflag:s0] =	ssyncset.done @!p0 $0x0  }
0x48: {  	[sflag:s0] =	ssyncadd.s32 @!p0 s1  }
0x49: {  	[bflag:$0x3] =	sbarrier.arrive $0xFFFF  }
0x4a: {  	_ =	shalt  }

// kernel: kernel.9.cloned.1.call-start
scs
__scs_entry_jumppad:
0x0: {  	(pc) =	sbr.rel $0x88, $3  }
0x1: {  	(tag) =	ssettag $0x0;
	lr =	simm.s32 $0x1  }
0x2: {  	[smem:$0x3F89] =	sst lr;
	_ =	strace $0xD0000000  }
0x3: {  	_ = 	snop  }
0x4: {  	_ = 	snop  }
0x5: {  	_ = 	snop  }
0x6: {  	_ = 	snop  }
0x7: {  	_ = 	snop  }
__scs_overlays_trampoline_lowered:
0x8: {  	[smem:$0x3F98] =	sst s0  }
0x9: {  	[smem:$0x3F99] =	sst s1  }
0xa: {  	[smem:$0x3F9A] =	sst s2  }
0xb: {  	[smem:$0x3F9B] =	sst s3  }
0xc: {  	[smem:$0x3F9C] =	sst s4  }
0xd: {  	[smem:$0x3F9D] =	sst s5  }
0xe: {  	[smem:$0x3F9E] =	sst s6  }
0xf: {  	[smem:$0x3F9F] =	sst s7  }
0x10: {  	[smem:$0x3FA0] =	sst s8  }
0x11: {  	[smem:$0x3FA1] =	sst s9;
	s0 =	simm.s32 @!p0 $0x0  }
0x12: {  	s1 =	sld [smem:$0x3F87];
	s0 =	simm.s32 @p0 $0x1  }
0x13: {  	[smem:$0x3FA2] =	sst s0;
	s0 =	simm.s32 @!p1 $0x0  }
0x14: {  	s2 =	sld [smem:$0x3F86];
	s0 =	simm.s32 @p1 $0x1  }
0x15: {  	[smem:$0x3FA3] =	sst s0;
	s0 =	simm.s32 @!p2 $0x0  }
0x16: {  	s3 =	sld [smem:$0x3FDB];
	s0 =	simm.s32 @p2 $0x1  }
0x17: {  	s4 =	simm.s32 $0x1BF5;
	[smem:$0x3FA5] =	sst s0  }
0x18: {  	s0 =	sld [smem:$0x3F88];
	_ =	swait.ge [sflag:s4], $0x0  }
0x19: {  	s7 =	sld [smem:$0x3F89]  }
0x1a: {  	s8 =	sadd.s32 $0xFFFFE003, lr  }
0x1b: {  	s9 =	sadd.s32 $0xFFFFFEF7, lr;
	s5 =	simm.s32 $0xFFFFFFFF;
	p2 =	slt.u32 s8, $0xFFFFF086  }
0x1c: {  	p1 =	slt.u32 s9, $0xF7A;
	s5 =	simm.s32 @!p2 $0x0  }
0x1d: {  	s5 =	simm.s32 @p1 $0x1;
	p0 =	seq.s32 s7, s2  }
0x1e: {  	s7 =	smul.u32 @!p0 $0xF7A, s2;
	p2 =	seq.s32 @!p0 s5, $0x0  }
0x1f: {  	s9 =	smul.u32 $0xF7A, s1;
	s8 =	simm.s32 @!p0 $0x1BF5;
	p2 =	por !p2, p0  }
0x20: {  	[sflag:s8] =	ssyncset.s32 @!p0 $0xFFFFF086;
	s6 =	sadd.s32 @!p0 s3, s7;
	s7 =	simm.s32 @!p0 $0x108  }
0x21: {  	s3 =	sadd.s32 s3, s9;
	s6 =	sadd.s32 @!p0 $0x88, s6;
	s7 =	simm.s32 @p2 $0x1082  }
0x22: {  	[simem:s7], [sflag:s8] =	dma.local @!p0 [hbm:s6], $0xF7A  }
0x23: {  	s9 =	sor.u32 $0xD0000000, s2;
	s6 =	simm.s32 $0x108;
	_ =	swait.ge @!p0 [sflag:s8], $0x0  }
0x24: {  	s3 =	sadd.s32 $0x88, s3;
	s6 =	simm.s32 @!p1 $0x1082;
	[sflag:s4] =	ssyncset.s32 $0xFFFFF086  }
0x25: {  	[simem:s6], [sflag:s4] =	dma.local [hbm:s3], $0xF7A  }
0x26: {  	[smem:$0x3F89] =	sst s1;
	(tag) =	ssettag s2;
	_ =	strace s9  }
0x27: {  	s1 =	sld [smem:$0x3F99]  }
0x28: {  	s2 =	sld [smem:$0x3F9A]  }
0x29: {  	s4 =	sld [smem:$0x3F9C]  }
0x2a: {  	p0 =	seq.s32 s5, $0x0;
	s5 =	sld [smem:$0x3F9D]  }
0x2b: {  	s6 =	sld [smem:$0x3F9E]  }
0x2c: {  	s7 =	sld [smem:$0x3F9F]  }
0x2d: {  	s3 =	simm.s32 $0x108;
	s8 =	sld [smem:$0x3FA0]  }
0x2e: {  	s3 =	simm.s32 @!p0 $0x1082;
	s9 =	sld [smem:$0x3FA1]  }
0x2f: {  	lr =	sadd.s32 s0, s3;
	s0 =	sld [smem:$0x3F98]  }
0x30: {  	s3 =	sld [smem:$0x3F9B]  }
0x31: {  	[smem:$0x3FA4] =	sst s10  }
0x32: {  	s10 =	sld [smem:$0x3FA2];
	_ =	sdelay $0x3  }
0x33: {  	p0 =	seq.s32 s10, $0x1;
	s10 =	sld [smem:$0x3FA4];
	_ =	sdelay $0x3  }
0x34: {  	[smem:$0x3FA4] =	sst s10  }
0x35: {  	s10 =	sld [smem:$0x3FA3];
	_ =	sdelay $0x3  }
0x36: {  	p1 =	seq.s32 s10, $0x1;
	s10 =	sld [smem:$0x3FA4];
	_ =	sdelay $0x3  }
0x37: {  	[smem:$0x3FA4] =	sst s10  }
0x38: {  	s10 =	sld [smem:$0x3FA5]  }
0x39: {  	_ = 	snop;
	(pc) =	sbr.ind lr, $3  }
0x3a: {  	_ = 	snop  }
0x3b: {  	_ = 	snop  }
0x3c: {  	p2 =	seq.s32 s10, $0x1;
	s10 =	sld [smem:$0x3FA4]  }
0x3d: {  	_ =	shalt  }
0x3e: {  	_ =	shalt  }
0x3f: {  	_ =	shalt  }
0x40: {  	_ =	shalt  }
0x41: {  	_ =	shalt  }
0x42: {  	_ =	shalt  }
0x43: {  	_ =	shalt  }
0x44: {  	_ =	shalt  }
0x45: {  	_ =	shalt  }
0x46: {  	_ =	shalt  }
0x47: {  	_ =	shalt  }
0x48: {  	_ =	shalt  }
0x49: {  	_ =	shalt  }
0x4a: {  	_ =	shalt  }
0x4b: {  	_ =	shalt  }
0x4c: {  	_ =	shalt  }
0x4d: {  	_ =	shalt  }
0x4e: {  	_ =	shalt  }
0x4f: {  	_ =	shalt  }
0x50: {  	_ =	shalt  }
0x51: {  	_ =	shalt  }
0x52: {  	_ =	shalt  }
0x53: {  	_ =	shalt  }
0x54: {  	_ =	shalt  }
0x55: {  	_ =	shalt  }
0x56: {  	_ =	shalt  }
0x57: {  	_ =	shalt  }
0x58: {  	_ =	shalt  }
0x59: {  	_ =	shalt  }
0x5a: {  	_ =	shalt  }
0x5b: {  	_ =	shalt  }
0x5c: {  	_ =	shalt  }
0x5d: {  	_ =	shalt  }
0x5e: {  	_ =	shalt  }
0x5f: {  	_ =	shalt  }
0x60: {  	_ =	shalt  }
0x61: {  	_ =	shalt  }
0x62: {  	_ =	shalt  }
0x63: {  	_ =	shalt  }
0x64: {  	_ =	shalt  }
0x65: {  	_ =	shalt  }
0x66: {  	_ =	shalt  }
0x67: {  	_ =	shalt  }
0x68: {  	_ =	shalt  }
0x69: {  	_ =	shalt  }
0x6a: {  	_ =	shalt  }
0x6b: {  	_ =	shalt  }
0x6c: {  	_ =	shalt  }
0x6d: {  	_ =	shalt  }
0x6e: {  	_ =	shalt  }
0x6f: {  	_ =	shalt  }
0x70: {  	_ =	shalt  }
0x71: {  	_ =	shalt  }
0x72: {  	_ =	shalt  }
0x73: {  	_ =	shalt  }
0x74: {  	_ =	shalt  }
0x75: {  	_ =	shalt  }
0x76: {  	_ =	shalt  }
0x77: {  	_ =	shalt  }
0x78: {  	_ =	shalt  }
0x79: {  	_ =	shalt  }
0x7a: {  	_ =	shalt  }
0x7b: {  	_ =	shalt  }
0x7c: {  	_ =	shalt  }
0x7d: {  	_ =	shalt  }
0x7e: {  	_ =	shalt  }
0x7f: {  	_ =	shalt  }
0x80: {  	_ =	shalt  }
0x81: {  	_ =	shalt  }
0x82: {  	_ =	shalt  }
0x83: {  	_ =	shalt  }
0x84: {  	_ =	shalt  }
0x85: {  	_ =	shalt  }
0x86: {  	_ =	shalt  }
0x87: {  	_ =	shalt  }
.Lfunc_end0:
.L_simem_size_0:
called_computation_lowered:
.L_overlay_start_0:
0x88: {  	s2 =	sld [smem:$0x3FD9]  }
0x89: {  	s3 =	sld [smem:$0x3FFE];
	_ =	sdelay $0x1  }
0x8a: {  	s1 =	srdreg.scid  }
0x8b: {  	s0 =	sand.u32 $0x1, s1  }
0x8c: {  	s16 =	sshll.u32 s0, $0xA;
	s2 =	sadd.s32 s3, s2  }
0x8d: {  	s2 =	sadd.s32 s2, s16  }
0x8e: {  	[smem:$0x3FB0] =	sst s2  }
0x8f: {  	_ = 	snop  }
0x90: {  	(tm) =	ssettm $0x1  }
0x91: {  	s17 =	sld [smem:$0x3FFB];
	_ =	sdelay $0x3  }
0x92: {  	_ =	strace s17  }
0x93: {  	s2 =	sld [smem:$0x3FFC];
	_ =	sdelay $0x3  }
0x94: {  	_ =	strace s2  }
0x95: {  	s2 =	sld [smem:$0x3FFD];
	_ =	sdelay $0x3  }
0x96: {  	_ =	strace s2  }
0x97: {  	_ =	strace $0x8FFFFFFF  }
0x98: {  	s18 =	sld [smem:$0x3FDB];
	_ =	sdelay $0x1  }
0x99: {  	s19 =	simm.s32 $_scs_section_size  }
0x9a: {  	s4 =	simm.s32 $_size__tile_overlayer_lowered;
	s5 =	simm.s32 $_tile_overlayer_lowered  }
0x9b: {  	s22 =	simm.s32 $0x1BFF;
	s21 =	sshll.u32 s5, $0x1;
	s2 =	sadd.s32 s19, s18  }
0x9c: {  	s6 =	simm.s32 $0x0;
	s20 =	sshll.u32 s4, $0x1;
	s4 =	sadd.s32 s21, s2  }
0x9d: {  	[timem:s6], [sflag:s22] =	dma.local [hbm:s4], s20  }
0x9e: {  	_ =	swait.ge [sflag:s22], s20  }
0x9f: {  	s3 =	ssub.s32 $0x0, s20;
	[sflag:s22] =	ssyncset.done $0x0  }
0xa0: {  	[sflag:s22] =	ssyncadd.s32 s3;
	_ =	sdelay $0x1  }
0xa1: {  	s23 =	simm.s32 $0x1B8B  }
0xa2: {  	_ =	swait.ge [sflag:s23], $0x1  }
0xa3: {  	[sflag:s23] =	ssyncset.done $0x0  }
0xa4: {  	s25 =	simm.s32 $0x1B8E;
	s24 =	sld [smem:$0x3FFE];
	[sflag:s23] =	ssyncadd.s32 $0xFFFFFFFF  }
0xa5: {  	s26 =	simm.s32 $execute0_lowered;
	[smem:$0x3FD2] =	sst s25  }
0xa6: {  	s4 =	sshll.u32 s26, $0x1;
	_ =	strace $0x80000046;
	[dreg:$0x1] =	wrdreg $0xFFFFFFFF  }
0xa7: {  	s28 =	simm.s32 $_size_execute0_lowered;
	s2 =	sadd.s32 s2, s4;
	[dreg:$0x0] =	wrdreg $0x0  }
0xa8: {  	s4 =	sshll.u32 s28, $0x1;
	[dreg:$0x2] =	wrdreg s2  }
0xa9: {  	[dreg:$0x3] =	wrdreg s4  }
0xaa: {  	[dreg:$0x4] =	wrdreg $0xC0  }
0xab: {  	_ =	task [dreg:s6], $0x5FFFF  }
0xac: {  	[dreg:$0x1] =	wrdreg $0xFFFFFFFF  }
0xad: {  	[dreg:$0x0] =	wrdreg $0x60  }
0xae: {  	[dreg:$0x2] =	wrdreg s24  }
0xaf: {  	[dreg:$0x3] =	wrdreg $0x90000  }
0xb0: {  	[dreg:$0x4] =	wrdreg $0x9  }
0xb1: {  	_ =	task.clear_ibuf [dreg:s6], $0x5FFFF;
	_ =	strace $0x90000046  }
0xb2: {  	s29 =	simm.s32 $0x9;
	_ =	strace $0x80000048  }
0xb3: {  	_ =	swait.ge [sflag:s29], $0x1  }
0xb4: {  	[sflag:s29] =	ssyncadd.s32 $0xFFFFFFFF  }
0xb5: {  	_ =	strace $0x90000048  }
0xb6: {  	_ =	sfence  }
0xb7: {  	s30 =	sld [smem:$0x0];
	_ =	sdelay $0x2  }
0xb8: {  	s31 =	sshll.u32 s1, $0xD;
	s1 =	sshrl.u32 s1, $0x2  }
0xb9: {  	s3 =	sand.u32 $0x4000, s31;
	s1 =	sadd.s32 s1, s30  }
0xba: {  	s0 =	sor.u32 s3, s0;
	s1 =	sshll.u32 s1, $0x11  }
0xbb: {  	s0 =	sor.u32 s1, s0  }
0xbc: {  	s0 =	sadd.s32 $0x8F2B, s0  }
0xbd: {  	[sflag:s0] =	ssyncadd.remote.s32 $0x1  }
0xbe: {  	_ =	sfence.sel $0xFFFF  }
0xbf: {  	[dreg:$0x0] =	wrdreg $0xFFFFFFFF;
	(pc) =	sbr.abs _section_cstart, $3  }
0xc0: {  	[dreg:$0x1] =	wrdreg $0xFFFFFFFF  }
0xc1: {  	_ =	task.clear_ibuf [dreg:s6], $0x2FFFF;
	_ =	strace $0x9FFFFFFF  }
0xc2: {  	(tm) =	ssettm $0x7FFFFFFF  }
0xc3: {  	_ =	shalt  }
tec
execute0_lowered:
.L_overlay_start_1:
0x0: {  	(tag) =	ssettag $0x1  }
0x1: {  	s1 =	srdreg.scid  }
0x2: {  	s0 =	stileid.u32;
	s6 =	rddreg [dreg:$0x0]  }
0x3: {  	s2 =	rddreg [dreg:$0x1];
	s3 =	simm.s32 $0x0;
	s7 =	smul.u32 $0x2800, s0  }
0x4: {  	s14 =	simm.s32 $0x80;
	s15 =	simm.s32 $0x5000;
	s10 =	smul.u32 $0x13C00, s0  }
0x5: {  	s16 =	simm.s32 $0x1;
	s5 =	sand.u32 $0x1, s1;
	s12 =	smul.u32 $0x4F000, s0  }
0x6: {  	s17 =	simm.s32 $0x0;
	s1 =	rddreg [dreg:$0x2];
	s4 =	smul.u32 $0x28000, s5  }
0x7: {  	[smem:$0x7FF] =	sst s3;
	s31 =	sshll.u32 s0, $0x6;
	s8 =	smul.u32 $0x13C000, s5  }
0x8: {  	_ =	strace $0x80000047;
	s29 =	ssub.s32 $0x2, s5;
	s5 =	sadd.s32 $0x61E00, s6  }
0x9: {  	s11 =	sshrl.u32 s29, $0x1;
	s30 =	sshrl.u32 s12, $0x2;
	s12 =	sor.u32 $0x1C02, s31  }
0xa: {  	s4 =	sadd.s32 s7, s4;
	s7 =	sshrl.u32 s7, $0x3;
	s8 =	sadd.s32 s10, s8  }
0xb: {  	s10 =	ssub.s32 s29, s11;
	s13 =	sadd.s32 s30, s2;
	s11 =	simm.s32 $0x2800  }
0xc: {  	s9 =	sshrl.u32 s4, $0x3;
	s4 =	sadd.s32 $0x12E00, s6;
	s7 =	sadd.s32 s7, s6  }
0xd: {  	s8 =	sshrl.u32 s8, $0x3;
	s13 =	sshrl.u32 s13, $0x3;
	s9 =	sadd.s32 s9, s6  }
0xe: {  	s8 =	sadd.s32 s8, s6;
	s7 =	sadd.s32 $0x3E00, s7;
	s6 =	sadd.s32 $0x8E00, s9  }
0xf: {  	s8 =	sadd.s32 $0x64600, s8;
	s9 =	smax.u32 s10, $0x1;
	s10 =	simm.s32 $0x2  }
.LBB2_1:
0x10: {  	[tilespmem:s3], [sflag:$0x2] =	stream.linear.gather [hbm4b:s6+s3], $0x2780, $0x38;
	[tilespmem:$0x1CC00] =	vst v63  }
0x11: {  	_ =	swait.ge [sflag:s10], $0x2780  }
0x12: {  	[sflag:s10] =	ssyncset.done $0x0  }
0x13: {  	[sflag:s10] =	ssyncadd.s32 $0xFFFFD880  }
0x14: {  	[tilespmem:s11], [sflag:$0x2] =	stream.linear.gather [hbm4b:s7+s3], $0x2780, $0x38;
	[tilespmem:$0x1CC00] =	vst v63  }
0x15: {  	_ =	swait.ge [sflag:s10], $0x2780  }
0x16: {  	[sflag:s10] =	ssyncset.done $0x0  }
0x17: {  	[sflag:s10] =	ssyncadd.s32 $0xFFFFD880  }
0x18: {  	[spmem:s13], [sflag:s12] =	dma.local [hbm:s5], $0x2780  }
0x19: {  	_ =	swait.ge [sflag:s10], $0x2780  }
0x1a: {  	[sflag:s10] =	ssyncset.done $0x0  }
0x1b: {  	[sflag:s10] =	ssyncadd.s32 $0xFFFFD880  }
0x1c: {  	s18 =	simm.s32 $0x0;
	[bflag:$0x0] =	sbarrier.arrive $0xFFFF  }
0x1d: {  	[tilespmem:s15], [sflag:$0x1] =	stream.indirect.gather [hbm4b:s4+s14], $0x80, s18, s14, $0xb8;
	[tilespmem:$0x1CC00] =	vst v63  }
0x1e: {  	_ =	swait.ge [sflag:s16], $0x4000  }
0x1f: {  	[sflag:s16] =	ssyncset.done $0x0  }
0x20: {  	s31 =	simm.s32 $0x2800;
	[sflag:s16] =	ssyncadd.s32 $0xFFFFC000  }
0x21: {  	[spmem:s2] =	stream.indirect.scatter.add.f32 [tilespmem:s15], [sflag:$0x2], $0x80, s31, s14, $0xb8;
	[tilespmem:$0x1CC00] =	vst v63  }
0x22: {  	_ =	swait.ge [sflag:s10], $0x4000  }
0x23: {  	s19 =	simm.s32 $0x400;
	s18 =	simm.s32 $0x200;
	[sflag:s10] =	ssyncset.done $0x0  }
.LBB2_2:
0x24: {  	s20 =	sshra.s32 s18, $0x2  }
0x25: {  	[sflag:s10] =	ssyncadd.s32 $0xFFFFC000;
	s18 =	smov.u32 s19;
	s21 =	sadd.s32 $0x200, s19  }
0x26: {  	[tilespmem:s15], [sflag:$0x1] =	stream.indirect.gather [hbm4b:s4+s14], $0x80, s20, s14, $0xb8;
	[tilespmem:$0x1CC00] =	vst v63  }
0x27: {  	p0 =	sne.s32 s19, $0x9C00;
	_ =	swait.ge [sflag:s16], $0x4000  }
.Ltmp0:
0x28: {  	[sflag:s16] =	ssyncset.done $0x0;
	(pc) =	sbr.rel @p0 .LBB2_2-.Ltmp0, $4  }
0x29: {  	s19 =	sadd.s32 $0x2800, s20;
	[sflag:s16] =	ssyncadd.s32 $0xFFFFC000  }
0x2a: {  	[spmem:s2] =	stream.indirect.scatter.add.f32 [tilespmem:s15], [sflag:$0x2], $0x80, s19, s14, $0xb8;
	[tilespmem:$0x1CC00] =	vst v63  }
0x2b: {  	_ =	swait.ge [sflag:s10], $0x4000  }
0x2c: {  	s19 =	smov.u32 s21;
	[sflag:s10] =	ssyncset.done $0x0  }
0x2d: {  	s18 =	sshra.s32 s18, $0x2;
	[sflag:s10] =	ssyncadd.s32 $0xFFFFC000  }
0x2e: {  	[tilespmem:s15], [sflag:$0x1] =	stream.indirect.gather [hbm4b:s4+s14], $0x80, s18, s14, $0xb8;
	[tilespmem:$0x1CC00] =	vst v63  }
0x2f: {  	_ =	swait.ge [sflag:s16], $0x4000  }
0x30: {  	[sflag:s16] =	ssyncset.done $0x0  }
0x31: {  	s18 =	sadd.s32 $0x2800, s18;
	[sflag:s16] =	ssyncadd.s32 $0xFFFFC000  }
0x32: {  	[spmem:s2] =	stream.indirect.scatter.add.f32 [tilespmem:s15], [sflag:$0x2], $0x80, s18, s14, $0xb8;
	[tilespmem:$0x1CC00] =	vst v63  }
0x33: {  	_ =	swait.ge [sflag:s10], $0x4000  }
0x34: {  	s17 =	sadd.s32 $0x1, s17;
	[sflag:s10] =	ssyncset.done $0x0  }
0x35: {  	p0 =	sne.s32 s17, s9;
	[sflag:s10] =	ssyncadd.s32 $0xFFFFC000  }
.Ltmp1:
0x36: {  	[bflag:$0x0] =	sbarrier.arrive $0xFFFF;
	(pc) =	sbr.rel @p0 .LBB2_1-.Ltmp1, $4  }
0x37: {  	[hbm:s8], [sflag:s12] =	dma.local [spmem:s13], $0x2780  }
0x38: {  	_ =	swait.ge [sflag:s10], $0x2780  }
0x39: {  	[sflag:s10] =	ssyncset.done $0x0  }
0x3a: {  	[sflag:s10] =	ssyncadd.s32 $0xFFFFD880  }
0x3b: {  	_ =	sfence.sel $0x180000  }
0x3c: {  	[bflag:$0x0] =	sbarrier.arrive $0xFFFF  }
0x3d: {  	p0 =	sne.s32 s0, $0x0;
	_ =	strace $0x90000047  }
0x3e: {  	s0 =	sadd.s32 @!p0 $0x100000, s1;
	[bflag:$0x2] =	sbarrier.arrive $0xFFFF  }
0x3f: {  	[sflag:s0] =	ssyncadd.tile.s32 @!p0 $0x1;
	_ =	shalt  }
.Lfunc_end2:
_tile_overlayer_lowered:
.L_overlay_start_2:
0x40: {  	(tag) =	ssettag $0x2  }
0x41: {  	s0 =	rddreg [dreg:$0x0];
	s2 =	stileid.u32  }
0x42: {  	s1 =	rddreg [dreg:$0x1];
	p0 =	sne.s32 s2, $0x0  }
0x43: {  	s3 =	rddreg [dreg:$0x2];
	[bflag:$0x3] =	sbarrier.arrive $0xFFFF;
	s2 =	simm.s32 @!p0 $0x1C02  }
0x44: {  	[timem:s3], [sflag:s2] =	dma.local @!p0 [hbm:s0], s1  }
0x45: {  	s0 =	simm.s32 @!p0 $0x2  }
0x46: {  	_ =	swait.ge @!p0 [sflag:s0], s1  }
0x47: {  	s1 =	ssub.s32 @!p0 $0x0, s1;
	[sflag:s0] =	ssyncset.done @!p0 $0x0  }
0x48: {  	[sflag:s0] =	ssyncadd.s32 @!p0 s1  }
0x49: {  	[bflag:$0x3] =	sbarrier.arrive $0xFFFF  }
0x4a: {  	_ =	shalt  }

</sc_bundles>
